<compile_context>
chip_gen: v7x
topology: tpu7x:2x2x1
jax: 0.10.2.dev20260603
libtpu: 0.0.44.dev20260713+nightly
codegen_flags: <defaults>
</compile_context>

<pallas_src>
import functools

import jax
import jax.numpy as jnp
from jax import lax
from jax.experimental import pallas as pl
from jax.experimental.pallas import tpu as pltpu
from jax.experimental.pallas import tpu_sc as plsc

_NUM_SCRATCHES = 20
_MAX_LENGTH = 50
_COLOR = 1.0
_NC, _NS = 2, 16
_NW = _NC * _NS
_LANES = 128


def _scratch_points(N, H, W):
    key = jax.random.key(42)
    k1, k2, k3, k4 = jax.random.split(key, 4)
    x_start = jax.random.randint(k1, (N, _NUM_SCRATCHES), 0, W)
    y_start = jax.random.randint(k2, (N, _NUM_SCRATCHES), 0, H)
    lengths = jax.random.randint(k3, (N, _NUM_SCRATCHES), 1, _MAX_LENGTH + 1)
    lengths = lengths.astype(jnp.float32)
    angles = jax.random.uniform(k4, (N, _NUM_SCRATCHES)) * 2 * 3.14159
    x_end = x_start.astype(jnp.float32) + lengths * jnp.cos(angles)
    y_end = y_start.astype(jnp.float32) + lengths * jnp.sin(angles)
    steps = int(_MAX_LENGTH * 1.5)
    t = jnp.linspace(0.0, 1.0, steps).reshape(1, 1, steps)
    xs = x_start.astype(jnp.float32)[..., None]
    ys = y_start.astype(jnp.float32)[..., None]
    xe = x_end[..., None]
    ye = y_end[..., None]
    x_points = (xs * (1 - t) + xe * t).astype(jnp.int32)
    y_points = (ys * (1 - t) + ye * t).astype(jnp.int32)
    x_points = jnp.clip(x_points, 0, W - 1).reshape(N, -1)
    y_points = jnp.clip(y_points, 0, H - 1).reshape(N, -1)
    return x_points, y_points


def _flat_indices(N, C, H, W):
    xp, yp = _scratch_points(N, H, W)
    P = xp.shape[1]
    x1 = jnp.clip(xp + 1, 0, W - 1)
    y1 = jnp.clip(yp + 1, 0, H - 1)
    pix = jnp.stack([yp * W + xp, y1 * W + xp, yp * W + x1], 1)
    pix = pix.reshape(N, 3 * P)
    base = (jnp.arange(N) * C)[:, None, None] * (H * W)
    chan = (jnp.arange(C) * (H * W))[None, :, None]
    idx = (base + chan + pix[:, None, :]).reshape(N, C * 3 * P)
    K = idx.shape[1]
    chunks = -(-K // _LANES)
    pad = chunks * _LANES - K
    if pad:
        idx = jnp.concatenate([idx, jnp.broadcast_to(idx[:, :1], (N, pad))], 1)
    return idx.astype(jnp.int32)


def kernel(img):
    N, C, H, W = img.shape
    size = N * C * H * W
    assert N == _NW, "one worker per image"
    per_w = size // _NW

    idx = _flat_indices(N, C, H, W)
    nidx = idx.shape[1]
    color = jnp.full((nidx,), _COLOR, jnp.float32)
    flat = img.reshape(size)

    NBUF = 2
    PRIME = 1
    CHUNK = 49152
    nchunks = per_w // CHUNK
    assert nchunks * CHUNK == per_w

    mesh = plsc.VectorSubcoreMesh(core_axis_name="c", subcore_axis_name="s")

    @functools.partial(
        pl.kernel,
        out_type=jax.ShapeDtypeStruct((size,), jnp.float32),
        mesh=mesh,
        scratch_types=[
            pltpu.VMEM((nidx,), jnp.int32),
            pltpu.VMEM((nidx,), jnp.float32),
            pltpu.VMEM_SHARED((NBUF, _NS, CHUNK), jnp.float32),
            [pltpu.SemaphoreType.DMA] * NBUF,
            [pltpu.SemaphoreType.DMA] * NBUF,
            pltpu.SemaphoreType.DMA,
            pltpu.SemaphoreType.DMA,
        ],
    )
    def scratches_sc(img_hbm, idx_hbm, color_hbm, out_hbm,
                     idx_v, color_v, spbuf, in_sems, out_sems, stage_sem,
                     scat_sem):
        sid = lax.axis_index("s")
        wid = sid * _NC + lax.axis_index("c")
        base = wid * per_w
        bufs = [spbuf.at[b, sid] for b in range(NBUF)]
        idx_cp = pltpu.async_copy(idx_hbm.at[wid], idx_v, stage_sem)
        col_cp = pltpu.async_copy(color_hbm, color_v, stage_sem)

        def chunk(g):
            return pl.ds(base + g * CHUNK, CHUNK)

        for b in range(min(PRIME, nchunks)):
            pltpu.async_copy(img_hbm.at[chunk(b)], bufs[b], in_sems[b])
        for g in range(nchunks):
            b = g % NBUF
            pltpu.make_async_copy(img_hbm.at[chunk(g)], bufs[b],
                                  in_sems[b]).wait()
            pltpu.async_copy(bufs[b], out_hbm.at[chunk(g)], out_sems[b])
            p = g + PRIME
            if p < nchunks:
                pb = p % NBUF
                if p >= NBUF:
                    pltpu.make_async_copy(bufs[pb],
                                          out_hbm.at[chunk(p - NBUF)],
                                          out_sems[pb]).wait()
                pltpu.async_copy(img_hbm.at[chunk(p)], bufs[pb], in_sems[pb])
        for g in range(max(0, nchunks - NBUF), nchunks):
            b = g % NBUF
            pltpu.make_async_copy(bufs[b], out_hbm.at[chunk(g)],
                                  out_sems[b]).wait()

        idx_cp.wait()
        col_cp.wait()
        pltpu.async_copy(color_v, out_hbm.at[idx_v], scat_sem).wait()

    return scratches_sc(flat, idx, color).reshape(N, C, H, W)

# --- scband reference (transcript-rebuilt; emitter-appended) ---
"""Pipeline reference for scband-scratches-58385785422324 (READ-ONLY COPY).

The authoritative reference and input builder live on the scoring server;
editing this copy changes nothing except your own understanding.
"""

import jax, jax.numpy as jnp
import numpy as np

NUM_SCRATCHES = 20
MAX_LENGTH = 50
MAX_WIDTH = 2
COLOR = 1.0


def _scratch_indices(N, H, W):
    key = jax.random.key(42)
    k1, k2, k3, k4 = jax.random.split(key, 4)
    x_start = jax.random.randint(k1, (N, NUM_SCRATCHES), 0, W)
    y_start = jax.random.randint(k2, (N, NUM_SCRATCHES), 0, H)
    lengths = jax.random.randint(k3, (N, NUM_SCRATCHES), 1, MAX_LENGTH + 1).astype(jnp.float32)
    angles = jax.random.uniform(k4, (N, NUM_SCRATCHES)) * 2 * 3.14159
    x_end = x_start.astype(jnp.float32) + lengths * jnp.cos(angles)
    y_end = y_start.astype(jnp.float32) + lengths * jnp.sin(angles)
    steps = int(MAX_LENGTH * 1.5)
    t = jnp.linspace(0.0, 1.0, steps).reshape(1, 1, steps)
    xs = x_start.astype(jnp.float32)[..., None]
    ys = y_start.astype(jnp.float32)[..., None]
    xe = x_end[..., None]
    ye = y_end[..., None]
    x_points = (xs * (1 - t) + xe * t).astype(jnp.int32)
    y_points = (ys * (1 - t) + ye * t).astype(jnp.int32)
    x_points = jnp.clip(x_points, 0, W - 1).reshape(N, -1)
    y_points = jnp.clip(y_points, 0, H - 1).reshape(N, -1)
    return x_points, y_points


def setup_inputs(seed: int = 0) -> dict:
    key = jax.random.key(seed)
    img = jax.random.uniform(key, (32, 3, 512, 512), dtype=jnp.float32)
    return {"img": img}


def reference(img):
    # probability=1.0 -> augmentation always applied (torch.rand(1) in [0,1) is never > 1.0)
    N, C, H, W = img.shape
    xp, yp = _scratch_indices(N, H, W)
    P = xp.shape[1]
    b = jnp.arange(N).reshape(N, 1, 1)
    c = jnp.arange(C).reshape(1, C, 1)
    y = yp.reshape(N, 1, P)
    x = xp.reshape(N, 1, P)
    out = img.at[b, c, y, x].set(COLOR)
    # max_width > 1 -> thicken the scratch by one pixel down and one pixel right
    out = out.at[b, c, jnp.clip(y + 1, 0, H - 1), x].set(COLOR)
    out = out.at[b, c, y, jnp.clip(x + 1, 0, W - 1)].set(COLOR)
    return out

if __name__ == "__main__":
    import jax
    _d = setup_inputs()
    print(jax.jit(kernel)(*tuple(_d.values())))

</pallas_src>

<mosaic_0001>
#map = affine_map<(d0, d1) -> (0)>
#map1 = affine_map<(d0, d1) -> (0, 0)>
module attributes {stable_mosaic.version = 14 : i64} {
  func.func @scratches_sc(%arg0: i32, %arg1: i32, %arg2: memref<25165824xf32, #tpu.memory_space<hbm>>, %arg3: memref<32x13568xi32, #tpu.memory_space<hbm>>, %arg4: memref<13568xf32, #tpu.memory_space<hbm>>, %arg5: memref<25165824xf32, #tpu.memory_space<hbm>>, %arg6: memref<13568xi32, #tpu.memory_space<vmem>>, %arg7: memref<13568xf32, #tpu.memory_space<vmem>>, %arg8: memref<2x16x49152xf32, #tpu.memory_space<vmem_shared>>, %arg9: memref<!tpu.dma_semaphore, #tpu.memory_space<semaphore_mem>>, %arg10: memref<!tpu.dma_semaphore, #tpu.memory_space<semaphore_mem>>, %arg11: memref<!tpu.dma_semaphore, #tpu.memory_space<semaphore_mem>>, %arg12: memref<!tpu.dma_semaphore, #tpu.memory_space<semaphore_mem>>, %arg13: memref<!tpu.dma_semaphore, #tpu.memory_space<semaphore_mem>>, %arg14: memref<!tpu.dma_semaphore, #tpu.memory_space<semaphore_mem>>) attributes {dimension_semantics = [#tpu.dimension_semantics<core_parallel>, #tpu.dimension_semantics<subcore_parallel>], iteration_bounds = array<i64: 2, 16>, scalar_prefetch = 0 : i64, scratch_operands = 9 : i64, tpu.core_type = #tpu.core_type<sc_vector_subcore>, window_params = [{transform_indices = #map}, {transform_indices = #map1}, {transform_indices = #map}, {transform_indices = #map}]} {
    %mul3A = arith.constant 2 : i32
    %mul3A_0 = arith.muli %arg1, %mul3A : i32
    %add3A = arith.addi %mul3A_0, %arg0 : i32
    %mul3A_1 = arith.constant 786432 : i32
    %mul3A_2 = arith.muli %add3A, %mul3A_1 : i32
    %dma_start3A = arith.constant 0 : i32
    %dma_start3A_3 = tpu.memref_slice %arg3[%add3A, %dma_start3A] : memref<32x13568xi32, #tpu.memory_space<hbm>> -> memref<1x13568xi32, #tpu.memory_space<hbm>>
    %dma_start3A_4 = tpu.memref_squeeze %dma_start3A_3 : memref<1x13568xi32, #tpu.memory_space<hbm>> -> memref<13568xi32, #tpu.memory_space<hbm>>
    %dma_start3A_5 = arith.constant 0 : i32
    %dma_start3A_6 = tpu.memref_slice %arg3[%add3A, %dma_start3A_5] : memref<32x13568xi32, #tpu.memory_space<hbm>> -> memref<1x13568xi32, #tpu.memory_space<hbm>>
    %dma_start3A_7 = tpu.memref_squeeze %dma_start3A_6 : memref<1x13568xi32, #tpu.memory_space<hbm>> -> memref<13568xi32, #tpu.memory_space<hbm>>
    tpu.enqueue_dma source(%dma_start3A_7 : memref<13568xi32, #tpu.memory_space<hbm>>) target(%arg6 : memref<13568xi32, #tpu.memory_space<vmem>>) target_semaphore(%arg13 : memref<!tpu.dma_semaphore, #tpu.memory_space<semaphore_mem>>)
    tpu.enqueue_dma source(%arg4 : memref<13568xf32, #tpu.memory_space<hbm>>) target(%arg7 : memref<13568xf32, #tpu.memory_space<vmem>>) target_semaphore(%arg13 : memref<!tpu.dma_semaphore, #tpu.memory_space<semaphore_mem>>)
    %add3A_8 = arith.constant 0 : i32
    %add3A_9 = arith.addi %mul3A_2, %add3A_8 : i32
    %dma_start3A_10 = arith.constant 0 : i32
    %dma_start3A_11 = arith.constant 0 : i32
    %dma_start3A_12 = tpu.memref_slice %arg8[%dma_start3A_10, %arg1, %dma_start3A_11] : memref<2x16x49152xf32, #tpu.memory_space<vmem_shared>> -> memref<1x1x49152xf32, #tpu.memory_space<vmem_shared>>
    %dma_start3A_13 = tpu.memref_squeeze %dma_start3A_12 : memref<1x1x49152xf32, #tpu.memory_space<vmem_shared>> -> memref<49152xf32, #tpu.memory_space<vmem_shared>>
    %dma_start3A_14 = tpu.memref_slice %arg2[%add3A_9] : memref<25165824xf32, #tpu.memory_space<hbm>> -> memref<49152xf32, #tpu.memory_space<hbm>>
    tpu.enqueue_dma source(%dma_start3A_14 : memref<49152xf32, #tpu.memory_space<hbm>>) target(%dma_start3A_13 : memref<49152xf32, #tpu.memory_space<vmem_shared>>) target_semaphore(%arg9 : memref<!tpu.dma_semaphore, #tpu.memory_space<semaphore_mem>>)
    %add3A_15 = arith.constant 0 : i32
    %add3A_16 = arith.addi %mul3A_2, %add3A_15 : i32
    %dma_wait3A = arith.constant 0 : i32
    %dma_wait3A_17 = arith.constant 0 : i32
    %dma_wait3A_18 = tpu.memref_slice %arg8[%dma_wait3A, %arg1, %dma_wait3A_17] : memref<2x16x49152xf32, #tpu.memory_space<vmem_shared>> -> memref<1x1x49152xf32, #tpu.memory_space<vmem_shared>>
    %dma_wait3A_19 = tpu.memref_squeeze %dma_wait3A_18 : memref<1x1x49152xf32, #tpu.memory_space<vmem_shared>> -> memref<49152xf32, #tpu.memory_space<vmem_shared>>
    %dma_wait3A_20 = tpu.memref_slice %arg2[%add3A_16] : memref<25165824xf32, #tpu.memory_space<hbm>> -> memref<49152xf32, #tpu.memory_space<hbm>>
    tpu.wait_dma2 semaphore(%arg9 : memref<!tpu.dma_semaphore, #tpu.memory_space<semaphore_mem>>) src(%dma_wait3A_20 : memref<49152xf32, #tpu.memory_space<hbm>>) dst(%dma_wait3A_19 : memref<49152xf32, #tpu.memory_space<vmem_shared>>)
    %add3A_21 = arith.constant 0 : i32
    %add3A_22 = arith.addi %mul3A_2, %add3A_21 : i32
    %dma_start3A_23 = arith.constant 0 : i32
    %dma_start3A_24 = tpu.memref_slice %arg5[%add3A_22] : memref<25165824xf32, #tpu.memory_space<hbm>> -> memref<49152xf32, #tpu.memory_space<hbm>>
    %dma_start3A_25 = arith.constant 0 : i32
    %dma_start3A_26 = tpu.memref_slice %arg8[%dma_start3A_23, %arg1, %dma_start3A_25] : memref<2x16x49152xf32, #tpu.memory_space<vmem_shared>> -> memref<1x1x49152xf32, #tpu.memory_space<vmem_shared>>
    %dma_start3A_27 = tpu.memref_squeeze %dma_start3A_26 : memref<1x1x49152xf32, #tpu.memory_space<vmem_shared>> -> memref<49152xf32, #tpu.memory_space<vmem_shared>>
    tpu.enqueue_dma source(%dma_start3A_27 : memref<49152xf32, #tpu.memory_space<vmem_shared>>) target(%dma_start3A_24 : memref<49152xf32, #tpu.memory_space<hbm>>) target_semaphore(%arg11 : memref<!tpu.dma_semaphore, #tpu.memory_space<semaphore_mem>>)
    %add3A_28 = arith.constant 49152 : i32
    %add3A_29 = arith.addi %mul3A_2, %add3A_28 : i32
    %dma_start3A_30 = arith.constant 1 : i32
    %dma_start3A_31 = arith.constant 0 : i32
    %dma_start3A_32 = tpu.memref_slice %arg8[%dma_start3A_30, %arg1, %dma_start3A_31] : memref<2x16x49152xf32, #tpu.memory_space<vmem_shared>> -> memref<1x1x49152xf32, #tpu.memory_space<vmem_shared>>
    %dma_start3A_33 = tpu.memref_squeeze %dma_start3A_32 : memref<1x1x49152xf32, #tpu.memory_space<vmem_shared>> -> memref<49152xf32, #tpu.memory_space<vmem_shared>>
    %dma_start3A_34 = tpu.memref_slice %arg2[%add3A_29] : memref<25165824xf32, #tpu.memory_space<hbm>> -> memref<49152xf32, #tpu.memory_space<hbm>>
    tpu.enqueue_dma source(%dma_start3A_34 : memref<49152xf32, #tpu.memory_space<hbm>>) target(%dma_start3A_33 : memref<49152xf32, #tpu.memory_space<vmem_shared>>) target_semaphore(%arg10 : memref<!tpu.dma_semaphore, #tpu.memory_space<semaphore_mem>>)
    %add3A_35 = arith.constant 49152 : i32
    %add3A_36 = arith.addi %mul3A_2, %add3A_35 : i32
    %dma_wait3A_37 = arith.constant 1 : i32
    %dma_wait3A_38 = arith.constant 0 : i32
    %dma_wait3A_39 = tpu.memref_slice %arg8[%dma_wait3A_37, %arg1, %dma_wait3A_38] : memref<2x16x49152xf32, #tpu.memory_space<vmem_shared>> -> memref<1x1x49152xf32, #tpu.memory_space<vmem_shared>>
    %dma_wait3A_40 = tpu.memref_squeeze %dma_wait3A_39 : memref<1x1x49152xf32, #tpu.memory_space<vmem_shared>> -> memref<49152xf32, #tpu.memory_space<vmem_shared>>
    %dma_wait3A_41 = tpu.memref_slice %arg2[%add3A_36] : memref<25165824xf32, #tpu.memory_space<hbm>> -> memref<49152xf32, #tpu.memory_space<hbm>>
    tpu.wait_dma2 semaphore(%arg10 : memref<!tpu.dma_semaphore, #tpu.memory_space<semaphore_mem>>) src(%dma_wait3A_41 : memref<49152xf32, #tpu.memory_space<hbm>>) dst(%dma_wait3A_40 : memref<49152xf32, #tpu.memory_space<vmem_shared>>)
    %add3A_42 = arith.constant 49152 : i32
    %add3A_43 = arith.addi %mul3A_2, %add3A_42 : i32
    %dma_start3A_44 = arith.constant 1 : i32
    %dma_start3A_45 = tpu.memref_slice %arg5[%add3A_43] : memref<25165824xf32, #tpu.memory_space<hbm>> -> memref<49152xf32, #tpu.memory_space<hbm>>
    %dma_start3A_46 = arith.constant 0 : i32
    %dma_start3A_47 = tpu.memref_slice %arg8[%dma_start3A_44, %arg1, %dma_start3A_46] : memref<2x16x49152xf32, #tpu.memory_space<vmem_shared>> -> memref<1x1x49152xf32, #tpu.memory_space<vmem_shared>>
    %dma_start3A_48 = tpu.memref_squeeze %dma_start3A_47 : memref<1x1x49152xf32, #tpu.memory_space<vmem_shared>> -> memref<49152xf32, #tpu.memory_space<vmem_shared>>
    tpu.enqueue_dma source(%dma_start3A_48 : memref<49152xf32, #tpu.memory_space<vmem_shared>>) target(%dma_start3A_45 : memref<49152xf32, #tpu.memory_space<hbm>>) target_semaphore(%arg12 : memref<!tpu.dma_semaphore, #tpu.memory_space<semaphore_mem>>)
    %add3A_49 = arith.constant 0 : i32
    %add3A_50 = arith.addi %mul3A_2, %add3A_49 : i32
    %dma_wait3A_51 = arith.constant 0 : i32
    %dma_wait3A_52 = tpu.memref_slice %arg5[%add3A_50] : memref<25165824xf32, #tpu.memory_space<hbm>> -> memref<49152xf32, #tpu.memory_space<hbm>>
    %dma_wait3A_53 = arith.constant 0 : i32
    %dma_wait3A_54 = tpu.memref_slice %arg8[%dma_wait3A_51, %arg1, %dma_wait3A_53] : memref<2x16x49152xf32, #tpu.memory_space<vmem_shared>> -> memref<1x1x49152xf32, #tpu.memory_space<vmem_shared>>
    %dma_wait3A_55 = tpu.memref_squeeze %dma_wait3A_54 : memref<1x1x49152xf32, #tpu.memory_space<vmem_shared>> -> memref<49152xf32, #tpu.memory_space<vmem_shared>>
    tpu.wait_dma2 semaphore(%arg11 : memref<!tpu.dma_semaphore, #tpu.memory_space<semaphore_mem>>) src(%dma_wait3A_55 : memref<49152xf32, #tpu.memory_space<vmem_shared>>) dst(%dma_wait3A_52 : memref<49152xf32, #tpu.memory_space<hbm>>)
    %add3A_56 = arith.constant 98304 : i32
    %add3A_57 = arith.addi %mul3A_2, %add3A_56 : i32
    %dma_start3A_58 = arith.constant 0 : i32
    %dma_start3A_59 = arith.constant 0 : i32
    %dma_start3A_60 = tpu.memref_slice %arg8[%dma_start3A_58, %arg1, %dma_start3A_59] : memref<2x16x49152xf32, #tpu.memory_space<vmem_shared>> -> memref<1x1x49152xf32, #tpu.memory_space<vmem_shared>>
    %dma_start3A_61 = tpu.memref_squeeze %dma_start3A_60 : memref<1x1x49152xf32, #tpu.memory_space<vmem_shared>> -> memref<49152xf32, #tpu.memory_space<vmem_shared>>
    %dma_start3A_62 = tpu.memref_slice %arg2[%add3A_57] : memref<25165824xf32, #tpu.memory_space<hbm>> -> memref<49152xf32, #tpu.memory_space<hbm>>
    tpu.enqueue_dma source(%dma_start3A_62 : memref<49152xf32, #tpu.memory_space<hbm>>) target(%dma_start3A_61 : memref<49152xf32, #tpu.memory_space<vmem_shared>>) target_semaphore(%arg9 : memref<!tpu.dma_semaphore, #tpu.memory_space<semaphore_mem>>)
    %add3A_63 = arith.constant 98304 : i32
    %add3A_64 = arith.addi %mul3A_2, %add3A_63 : i32
    %dma_wait3A_65 = arith.constant 0 : i32
    %dma_wait3A_66 = arith.constant 0 : i32
    %dma_wait3A_67 = tpu.memref_slice %arg8[%dma_wait3A_65, %arg1, %dma_wait3A_66] : memref<2x16x49152xf32, #tpu.memory_space<vmem_shared>> -> memref<1x1x49152xf32, #tpu.memory_space<vmem_shared>>
    %dma_wait3A_68 = tpu.memref_squeeze %dma_wait3A_67 : memref<1x1x49152xf32, #tpu.memory_space<vmem_shared>> -> memref<49152xf32, #tpu.memory_space<vmem_shared>>
    %dma_wait3A_69 = tpu.memref_slice %arg2[%add3A_64] : memref<25165824xf32, #tpu.memory_space<hbm>> -> memref<49152xf32, #tpu.memory_space<hbm>>
    tpu.wait_dma2 semaphore(%arg9 : memref<!tpu.dma_semaphore, #tpu.memory_space<semaphore_mem>>) src(%dma_wait3A_69 : memref<49152xf32, #tpu.memory_space<hbm>>) dst(%dma_wait3A_68 : memref<49152xf32, #tpu.memory_space<vmem_shared>>)
    %add3A_70 = arith.constant 98304 : i32
    %add3A_71 = arith.addi %mul3A_2, %add3A_70 : i32
    %dma_start3A_72 = arith.constant 0 : i32
    %dma_start3A_73 = tpu.memref_slice %arg5[%add3A_71] : memref<25165824xf32, #tpu.memory_space<hbm>> -> memref<49152xf32, #tpu.memory_space<hbm>>
    %dma_start3A_74 = arith.constant 0 : i32
    %dma_start3A_75 = tpu.memref_slice %arg8[%dma_start3A_72, %arg1, %dma_start3A_74] : memref<2x16x49152xf32, #tpu.memory_space<vmem_shared>> -> memref<1x1x49152xf32, #tpu.memory_space<vmem_shared>>
    %dma_start3A_76 = tpu.memref_squeeze %dma_start3A_75 : memref<1x1x49152xf32, #tpu.memory_space<vmem_shared>> -> memref<49152xf32, #tpu.memory_space<vmem_shared>>
    tpu.enqueue_dma source(%dma_start3A_76 : memref<49152xf32, #tpu.memory_space<vmem_shared>>) target(%dma_start3A_73 : memref<49152xf32, #tpu.memory_space<hbm>>) target_semaphore(%arg11 : memref<!tpu.dma_semaphore, #tpu.memory_space<semaphore_mem>>)
    %add3A_77 = arith.constant 49152 : i32
    %add3A_78 = arith.addi %mul3A_2, %add3A_77 : i32
    %dma_wait3A_79 = arith.constant 1 : i32
    %dma_wait3A_80 = tpu.memref_slice %arg5[%add3A_78] : memref<25165824xf32, #tpu.memory_space<hbm>> -> memref<49152xf32, #tpu.memory_space<hbm>>
    %dma_wait3A_81 = arith.constant 0 : i32
    %dma_wait3A_82 = tpu.memref_slice %arg8[%dma_wait3A_79, %arg1, %dma_wait3A_81] : memref<2x16x49152xf32, #tpu.memory_space<vmem_shared>> -> memref<1x1x49152xf32, #tpu.memory_space<vmem_shared>>
    %dma_wait3A_83 = tpu.memref_squeeze %dma_wait3A_82 : memref<1x1x49152xf32, #tpu.memory_space<vmem_shared>> -> memref<49152xf32, #tpu.memory_space<vmem_shared>>
    tpu.wait_dma2 semaphore(%arg12 : memref<!tpu.dma_semaphore, #tpu.memory_space<semaphore_mem>>) src(%dma_wait3A_83 : memref<49152xf32, #tpu.memory_space<vmem_shared>>) dst(%dma_wait3A_80 : memref<49152xf32, #tpu.memory_space<hbm>>)
    %add3A_84 = arith.constant 147456 : i32
    %add3A_85 = arith.addi %mul3A_2, %add3A_84 : i32
    %dma_start3A_86 = arith.constant 1 : i32
    %dma_start3A_87 = arith.constant 0 : i32
    %dma_start3A_88 = tpu.memref_slice %arg8[%dma_start3A_86, %arg1, %dma_start3A_87] : memref<2x16x49152xf32, #tpu.memory_space<vmem_shared>> -> memref<1x1x49152xf32, #tpu.memory_space<vmem_shared>>
    %dma_start3A_89 = tpu.memref_squeeze %dma_start3A_88 : memref<1x1x49152xf32, #tpu.memory_space<vmem_shared>> -> memref<49152xf32, #tpu.memory_space<vmem_shared>>
    %dma_start3A_90 = tpu.memref_slice %arg2[%add3A_85] : memref<25165824xf32, #tpu.memory_space<hbm>> -> memref<49152xf32, #tpu.memory_space<hbm>>
    tpu.enqueue_dma source(%dma_start3A_90 : memref<49152xf32, #tpu.memory_space<hbm>>) target(%dma_start3A_89 : memref<49152xf32, #tpu.memory_space<vmem_shared>>) target_semaphore(%arg10 : memref<!tpu.dma_semaphore, #tpu.memory_space<semaphore_mem>>)
    %add3A_91 = arith.constant 147456 : i32
    %add3A_92 = arith.addi %mul3A_2, %add3A_91 : i32
    %dma_wait3A_93 = arith.constant 1 : i32
    %dma_wait3A_94 = arith.constant 0 : i32
    %dma_wait3A_95 = tpu.memref_slice %arg8[%dma_wait3A_93, %arg1, %dma_wait3A_94] : memref<2x16x49152xf32, #tpu.memory_space<vmem_shared>> -> memref<1x1x49152xf32, #tpu.memory_space<vmem_shared>>
    %dma_wait3A_96 = tpu.memref_squeeze %dma_wait3A_95 : memref<1x1x49152xf32, #tpu.memory_space<vmem_shared>> -> memref<49152xf32, #tpu.memory_space<vmem_shared>>
    %dma_wait3A_97 = tpu.memref_slice %arg2[%add3A_92] : memref<25165824xf32, #tpu.memory_space<hbm>> -> memref<49152xf32, #tpu.memory_space<hbm>>
    tpu.wait_dma2 semaphore(%arg10 : memref<!tpu.dma_semaphore, #tpu.memory_space<semaphore_mem>>) src(%dma_wait3A_97 : memref<49152xf32, #tpu.memory_space<hbm>>) dst(%dma_wait3A_96 : memref<49152xf32, #tpu.memory_space<vmem_shared>>)
    %add3A_98 = arith.constant 147456 : i32
    %add3A_99 = arith.addi %mul3A_2, %add3A_98 : i32
    %dma_start3A_100 = arith.constant 1 : i32
    %dma_start3A_101 = tpu.memref_slice %arg5[%add3A_99] : memref<25165824xf32, #tpu.memory_space<hbm>> -> memref<49152xf32, #tpu.memory_space<hbm>>
    %dma_start3A_102 = arith.constant 0 : i32
    %dma_start3A_103 = tpu.memref_slice %arg8[%dma_start3A_100, %arg1, %dma_start3A_102] : memref<2x16x49152xf32, #tpu.memory_space<vmem_shared>> -> memref<1x1x49152xf32, #tpu.memory_space<vmem_shared>>
    %dma_start3A_104 = tpu.memref_squeeze %dma_start3A_103 : memref<1x1x49152xf32, #tpu.memory_space<vmem_shared>> -> memref<49152xf32, #tpu.memory_space<vmem_shared>>
    tpu.enqueue_dma source(%dma_start3A_104 : memref<49152xf32, #tpu.memory_space<vmem_shared>>) target(%dma_start3A_101 : memref<49152xf32, #tpu.memory_space<hbm>>) target_semaphore(%arg12 : memref<!tpu.dma_semaphore, #tpu.memory_space<semaphore_mem>>)
    %add3A_105 = arith.constant 98304 : i32
    %add3A_106 = arith.addi %mul3A_2, %add3A_105 : i32
    %dma_wait3A_107 = arith.constant 0 : i32
    %dma_wait3A_108 = tpu.memref_slice %arg5[%add3A_106] : memref<25165824xf32, #tpu.memory_space<hbm>> -> memref<49152xf32, #tpu.memory_space<hbm>>
    %dma_wait3A_109 = arith.constant 0 : i32
    %dma_wait3A_110 = tpu.memref_slice %arg8[%dma_wait3A_107, %arg1, %dma_wait3A_109] : memref<2x16x49152xf32, #tpu.memory_space<vmem_shared>> -> memref<1x1x49152xf32, #tpu.memory_space<vmem_shared>>
    %dma_wait3A_111 = tpu.memref_squeeze %dma_wait3A_110 : memref<1x1x49152xf32, #tpu.memory_space<vmem_shared>> -> memref<49152xf32, #tpu.memory_space<vmem_shared>>
    tpu.wait_dma2 semaphore(%arg11 : memref<!tpu.dma_semaphore, #tpu.memory_space<semaphore_mem>>) src(%dma_wait3A_111 : memref<49152xf32, #tpu.memory_space<vmem_shared>>) dst(%dma_wait3A_108 : memref<49152xf32, #tpu.memory_space<hbm>>)
    %add3A_112 = arith.constant 196608 : i32
    %add3A_113 = arith.addi %mul3A_2, %add3A_112 : i32
    %dma_start3A_114 = arith.constant 0 : i32
    %dma_start3A_115 = arith.constant 0 : i32
    %dma_start3A_116 = tpu.memref_slice %arg8[%dma_start3A_114, %arg1, %dma_start3A_115] : memref<2x16x49152xf32, #tpu.memory_space<vmem_shared>> -> memref<1x1x49152xf32, #tpu.memory_space<vmem_shared>>
    %dma_start3A_117 = tpu.memref_squeeze %dma_start3A_116 : memref<1x1x49152xf32, #tpu.memory_space<vmem_shared>> -> memref<49152xf32, #tpu.memory_space<vmem_shared>>
    %dma_start3A_118 = tpu.memref_slice %arg2[%add3A_113] : memref<25165824xf32, #tpu.memory_space<hbm>> -> memref<49152xf32, #tpu.memory_space<hbm>>
    tpu.enqueue_dma source(%dma_start3A_118 : memref<49152xf32, #tpu.memory_space<hbm>>) target(%dma_start3A_117 : memref<49152xf32, #tpu.memory_space<vmem_shared>>) target_semaphore(%arg9 : memref<!tpu.dma_semaphore, #tpu.memory_space<semaphore_mem>>)
    %add3A_119 = arith.constant 196608 : i32
    %add3A_120 = arith.addi %mul3A_2, %add3A_119 : i32
    %dma_wait3A_121 = arith.constant 0 : i32
    %dma_wait3A_122 = arith.constant 0 : i32
    %dma_wait3A_123 = tpu.memref_slice %arg8[%dma_wait3A_121, %arg1, %dma_wait3A_122] : memref<2x16x49152xf32, #tpu.memory_space<vmem_shared>> -> memref<1x1x49152xf32, #tpu.memory_space<vmem_shared>>
    %dma_wait3A_124 = tpu.memref_squeeze %dma_wait3A_123 : memref<1x1x49152xf32, #tpu.memory_space<vmem_shared>> -> memref<49152xf32, #tpu.memory_space<vmem_shared>>
    %dma_wait3A_125 = tpu.memref_slice %arg2[%add3A_120] : memref<25165824xf32, #tpu.memory_space<hbm>> -> memref<49152xf32, #tpu.memory_space<hbm>>
    tpu.wait_dma2 semaphore(%arg9 : memref<!tpu.dma_semaphore, #tpu.memory_space<semaphore_mem>>) src(%dma_wait3A_125 : memref<49152xf32, #tpu.memory_space<hbm>>) dst(%dma_wait3A_124 : memref<49152xf32, #tpu.memory_space<vmem_shared>>)
    %add3A_126 = arith.constant 196608 : i32
    %add3A_127 = arith.addi %mul3A_2, %add3A_126 : i32
    %dma_start3A_128 = arith.constant 0 : i32
    %dma_start3A_129 = tpu.memref_slice %arg5[%add3A_127] : memref<25165824xf32, #tpu.memory_space<hbm>> -> memref<49152xf32, #tpu.memory_space<hbm>>
    %dma_start3A_130 = arith.constant 0 : i32
    %dma_start3A_131 = tpu.memref_slice %arg8[%dma_start3A_128, %arg1, %dma_start3A_130] : memref<2x16x49152xf32, #tpu.memory_space<vmem_shared>> -> memref<1x1x49152xf32, #tpu.memory_space<vmem_shared>>
    %dma_start3A_132 = tpu.memref_squeeze %dma_start3A_131 : memref<1x1x49152xf32, #tpu.memory_space<vmem_shared>> -> memref<49152xf32, #tpu.memory_space<vmem_shared>>
    tpu.enqueue_dma source(%dma_start3A_132 : memref<49152xf32, #tpu.memory_space<vmem_shared>>) target(%dma_start3A_129 : memref<49152xf32, #tpu.memory_space<hbm>>) target_semaphore(%arg11 : memref<!tpu.dma_semaphore, #tpu.memory_space<semaphore_mem>>)
    %add3A_133 = arith.constant 147456 : i32
    %add3A_134 = arith.addi %mul3A_2, %add3A_133 : i32
    %dma_wait3A_135 = arith.constant 1 : i32
    %dma_wait3A_136 = tpu.memref_slice %arg5[%add3A_134] : memref<25165824xf32, #tpu.memory_space<hbm>> -> memref<49152xf32, #tpu.memory_space<hbm>>
    %dma_wait3A_137 = arith.constant 0 : i32
    %dma_wait3A_138 = tpu.memref_slice %arg8[%dma_wait3A_135, %arg1, %dma_wait3A_137] : memref<2x16x49152xf32, #tpu.memory_space<vmem_shared>> -> memref<1x1x49152xf32, #tpu.memory_space<vmem_shared>>
    %dma_wait3A_139 = tpu.memref_squeeze %dma_wait3A_138 : memref<1x1x49152xf32, #tpu.memory_space<vmem_shared>> -> memref<49152xf32, #tpu.memory_space<vmem_shared>>
    tpu.wait_dma2 semaphore(%arg12 : memref<!tpu.dma_semaphore, #tpu.memory_space<semaphore_mem>>) src(%dma_wait3A_139 : memref<49152xf32, #tpu.memory_space<vmem_shared>>) dst(%dma_wait3A_136 : memref<49152xf32, #tpu.memory_space<hbm>>)
    %add3A_140 = arith.constant 245760 : i32
    %add3A_141 = arith.addi %mul3A_2, %add3A_140 : i32
    %dma_start3A_142 = arith.constant 1 : i32
    %dma_start3A_143 = arith.constant 0 : i32
    %dma_start3A_144 = tpu.memref_slice %arg8[%dma_start3A_142, %arg1, %dma_start3A_143] : memref<2x16x49152xf32, #tpu.memory_space<vmem_shared>> -> memref<1x1x49152xf32, #tpu.memory_space<vmem_shared>>
    %dma_start3A_145 = tpu.memref_squeeze %dma_start3A_144 : memref<1x1x49152xf32, #tpu.memory_space<vmem_shared>> -> memref<49152xf32, #tpu.memory_space<vmem_shared>>
    %dma_start3A_146 = tpu.memref_slice %arg2[%add3A_141] : memref<25165824xf32, #tpu.memory_space<hbm>> -> memref<49152xf32, #tpu.memory_space<hbm>>
    tpu.enqueue_dma source(%dma_start3A_146 : memref<49152xf32, #tpu.memory_space<hbm>>) target(%dma_start3A_145 : memref<49152xf32, #tpu.memory_space<vmem_shared>>) target_semaphore(%arg10 : memref<!tpu.dma_semaphore, #tpu.memory_space<semaphore_mem>>)
    %add3A_147 = arith.constant 245760 : i32
    %add3A_148 = arith.addi %mul3A_2, %add3A_147 : i32
    %dma_wait3A_149 = arith.constant 1 : i32
    %dma_wait3A_150 = arith.constant 0 : i32
    %dma_wait3A_151 = tpu.memref_slice %arg8[%dma_wait3A_149, %arg1, %dma_wait3A_150] : memref<2x16x49152xf32, #tpu.memory_space<vmem_shared>> -> memref<1x1x49152xf32, #tpu.memory_space<vmem_shared>>
    %dma_wait3A_152 = tpu.memref_squeeze %dma_wait3A_151 : memref<1x1x49152xf32, #tpu.memory_space<vmem_shared>> -> memref<49152xf32, #tpu.memory_space<vmem_shared>>
    %dma_wait3A_153 = tpu.memref_slice %arg2[%add3A_148] : memref<25165824xf32, #tpu.memory_space<hbm>> -> memref<49152xf32, #tpu.memory_space<hbm>>
    tpu.wait_dma2 semaphore(%arg10 : memref<!tpu.dma_semaphore, #tpu.memory_space<semaphore_mem>>) src(%dma_wait3A_153 : memref<49152xf32, #tpu.memory_space<hbm>>) dst(%dma_wait3A_152 : memref<49152xf32, #tpu.memory_space<vmem_shared>>)
    %add3A_154 = arith.constant 245760 : i32
    %add3A_155 = arith.addi %mul3A_2, %add3A_154 : i32
    %dma_start3A_156 = arith.constant 1 : i32
    %dma_start3A_157 = tpu.memref_slice %arg5[%add3A_155] : memref<25165824xf32, #tpu.memory_space<hbm>> -> memref<49152xf32, #tpu.memory_space<hbm>>
    %dma_start3A_158 = arith.constant 0 : i32
    %dma_start3A_159 = tpu.memref_slice %arg8[%dma_start3A_156, %arg1, %dma_start3A_158] : memref<2x16x49152xf32, #tpu.memory_space<vmem_shared>> -> memref<1x1x49152xf32, #tpu.memory_space<vmem_shared>>
    %dma_start3A_160 = tpu.memref_squeeze %dma_start3A_159 : memref<1x1x49152xf32, #tpu.memory_space<vmem_shared>> -> memref<49152xf32, #tpu.memory_space<vmem_shared>>
    tpu.enqueue_dma source(%dma_start3A_160 : memref<49152xf32, #tpu.memory_space<vmem_shared>>) target(%dma_start3A_157 : memref<49152xf32, #tpu.memory_space<hbm>>) target_semaphore(%arg12 : memref<!tpu.dma_semaphore, #tpu.memory_space<semaphore_mem>>)
    %add3A_161 = arith.constant 196608 : i32
    %add3A_162 = arith.addi %mul3A_2, %add3A_161 : i32
    %dma_wait3A_163 = arith.constant 0 : i32
    %dma_wait3A_164 = tpu.memref_slice %arg5[%add3A_162] : memref<25165824xf32, #tpu.memory_space<hbm>> -> memref<49152xf32, #tpu.memory_space<hbm>>
    %dma_wait3A_165 = arith.constant 0 : i32
    %dma_wait3A_166 = tpu.memref_slice %arg8[%dma_wait3A_163, %arg1, %dma_wait3A_165] : memref<2x16x49152xf32, #tpu.memory_space<vmem_shared>> -> memref<1x1x49152xf32, #tpu.memory_space<vmem_shared>>
    %dma_wait3A_167 = tpu.memref_squeeze %dma_wait3A_166 : memref<1x1x49152xf32, #tpu.memory_space<vmem_shared>> -> memref<49152xf32, #tpu.memory_space<vmem_shared>>
    tpu.wait_dma2 semaphore(%arg11 : memref<!tpu.dma_semaphore, #tpu.memory_space<semaphore_mem>>) src(%dma_wait3A_167 : memref<49152xf32, #tpu.memory_space<vmem_shared>>) dst(%dma_wait3A_164 : memref<49152xf32, #tpu.memory_space<hbm>>)
    %add3A_168 = arith.constant 294912 : i32
    %add3A_169 = arith.addi %mul3A_2, %add3A_168 : i32
    %dma_start3A_170 = arith.constant 0 : i32
    %dma_start3A_171 = arith.constant 0 : i32
    %dma_start3A_172 = tpu.memref_slice %arg8[%dma_start3A_170, %arg1, %dma_start3A_171] : memref<2x16x49152xf32, #tpu.memory_space<vmem_shared>> -> memref<1x1x49152xf32, #tpu.memory_space<vmem_shared>>
    %dma_start3A_173 = tpu.memref_squeeze %dma_start3A_172 : memref<1x1x49152xf32, #tpu.memory_space<vmem_shared>> -> memref<49152xf32, #tpu.memory_space<vmem_shared>>
    %dma_start3A_174 = tpu.memref_slice %arg2[%add3A_169] : memref<25165824xf32, #tpu.memory_space<hbm>> -> memref<49152xf32, #tpu.memory_space<hbm>>
    tpu.enqueue_dma source(%dma_start3A_174 : memref<49152xf32, #tpu.memory_space<hbm>>) target(%dma_start3A_173 : memref<49152xf32, #tpu.memory_space<vmem_shared>>) target_semaphore(%arg9 : memref<!tpu.dma_semaphore, #tpu.memory_space<semaphore_mem>>)
    %add3A_175 = arith.constant 294912 : i32
    %add3A_176 = arith.addi %mul3A_2, %add3A_175 : i32
    %dma_wait3A_177 = arith.constant 0 : i32
    %dma_wait3A_178 = arith.constant 0 : i32
    %dma_wait3A_179 = tpu.memref_slice %arg8[%dma_wait3A_177, %arg1, %dma_wait3A_178] : memref<2x16x49152xf32, #tpu.memory_space<vmem_shared>> -> memref<1x1x49152xf32, #tpu.memory_space<vmem_shared>>
    %dma_wait3A_180 = tpu.memref_squeeze %dma_wait3A_179 : memref<1x1x49152xf32, #tpu.memory_space<vmem_shared>> -> memref<49152xf32, #tpu.memory_space<vmem_shared>>
    %dma_wait3A_181 = tpu.memref_slice %arg2[%add3A_176] : memref<25165824xf32, #tpu.memory_space<hbm>> -> memref<49152xf32, #tpu.memory_space<hbm>>
    tpu.wait_dma2 semaphore(%arg9 : memref<!tpu.dma_semaphore, #tpu.memory_space<semaphore_mem>>) src(%dma_wait3A_181 : memref<49152xf32, #tpu.memory_space<hbm>>) dst(%dma_wait3A_180 : memref<49152xf32, #tpu.memory_space<vmem_shared>>)
    %add3A_182 = arith.constant 294912 : i32
    %add3A_183 = arith.addi %mul3A_2, %add3A_182 : i32
    %dma_start3A_184 = arith.constant 0 : i32
    %dma_start3A_185 = tpu.memref_slice %arg5[%add3A_183] : memref<25165824xf32, #tpu.memory_space<hbm>> -> memref<49152xf32, #tpu.memory_space<hbm>>
    %dma_start3A_186 = arith.constant 0 : i32
    %dma_start3A_187 = tpu.memref_slice %arg8[%dma_start3A_184, %arg1, %dma_start3A_186] : memref<2x16x49152xf32, #tpu.memory_space<vmem_shared>> -> memref<1x1x49152xf32, #tpu.memory_space<vmem_shared>>
    %dma_start3A_188 = tpu.memref_squeeze %dma_start3A_187 : memref<1x1x49152xf32, #tpu.memory_space<vmem_shared>> -> memref<49152xf32, #tpu.memory_space<vmem_shared>>
    tpu.enqueue_dma source(%dma_start3A_188 : memref<49152xf32, #tpu.memory_space<vmem_shared>>) target(%dma_start3A_185 : memref<49152xf32, #tpu.memory_space<hbm>>) target_semaphore(%arg11 : memref<!tpu.dma_semaphore, #tpu.memory_space<semaphore_mem>>)
    %add3A_189 = arith.constant 245760 : i32
    %add3A_190 = arith.addi %mul3A_2, %add3A_189 : i32
    %dma_wait3A_191 = arith.constant 1 : i32
    %dma_wait3A_192 = tpu.memref_slice %arg5[%add3A_190] : memref<25165824xf32, #tpu.memory_space<hbm>> -> memref<49152xf32, #tpu.memory_space<hbm>>
    %dma_wait3A_193 = arith.constant 0 : i32
    %dma_wait3A_194 = tpu.memref_slice %arg8[%dma_wait3A_191, %arg1, %dma_wait3A_193] : memref<2x16x49152xf32, #tpu.memory_space<vmem_shared>> -> memref<1x1x49152xf32, #tpu.memory_space<vmem_shared>>
    %dma_wait3A_195 = tpu.memref_squeeze %dma_wait3A_194 : memref<1x1x49152xf32, #tpu.memory_space<vmem_shared>> -> memref<49152xf32, #tpu.memory_space<vmem_shared>>
    tpu.wait_dma2 semaphore(%arg12 : memref<!tpu.dma_semaphore, #tpu.memory_space<semaphore_mem>>) src(%dma_wait3A_195 : memref<49152xf32, #tpu.memory_space<vmem_shared>>) dst(%dma_wait3A_192 : memref<49152xf32, #tpu.memory_space<hbm>>)
    %add3A_196 = arith.constant 344064 : i32
    %add3A_197 = arith.addi %mul3A_2, %add3A_196 : i32
    %dma_start3A_198 = arith.constant 1 : i32
    %dma_start3A_199 = arith.constant 0 : i32
    %dma_start3A_200 = tpu.memref_slice %arg8[%dma_start3A_198, %arg1, %dma_start3A_199] : memref<2x16x49152xf32, #tpu.memory_space<vmem_shared>> -> memref<1x1x49152xf32, #tpu.memory_space<vmem_shared>>
    %dma_start3A_201 = tpu.memref_squeeze %dma_start3A_200 : memref<1x1x49152xf32, #tpu.memory_space<vmem_shared>> -> memref<49152xf32, #tpu.memory_space<vmem_shared>>
    %dma_start3A_202 = tpu.memref_slice %arg2[%add3A_197] : memref<25165824xf32, #tpu.memory_space<hbm>> -> memref<49152xf32, #tpu.memory_space<hbm>>
    tpu.enqueue_dma source(%dma_start3A_202 : memref<49152xf32, #tpu.memory_space<hbm>>) target(%dma_start3A_201 : memref<49152xf32, #tpu.memory_space<vmem_shared>>) target_semaphore(%arg10 : memref<!tpu.dma_semaphore, #tpu.memory_space<semaphore_mem>>)
    %add3A_203 = arith.constant 344064 : i32
    %add3A_204 = arith.addi %mul3A_2, %add3A_203 : i32
    %dma_wait3A_205 = arith.constant 1 : i32
    %dma_wait3A_206 = arith.constant 0 : i32
    %dma_wait3A_207 = tpu.memref_slice %arg8[%dma_wait3A_205, %arg1, %dma_wait3A_206] : memref<2x16x49152xf32, #tpu.memory_space<vmem_shared>> -> memref<1x1x49152xf32, #tpu.memory_space<vmem_shared>>
    %dma_wait3A_208 = tpu.memref_squeeze %dma_wait3A_207 : memref<1x1x49152xf32, #tpu.memory_space<vmem_shared>> -> memref<49152xf32, #tpu.memory_space<vmem_shared>>
    %dma_wait3A_209 = tpu.memref_slice %arg2[%add3A_204] : memref<25165824xf32, #tpu.memory_space<hbm>> -> memref<49152xf32, #tpu.memory_space<hbm>>
    tpu.wait_dma2 semaphore(%arg10 : memref<!tpu.dma_semaphore, #tpu.memory_space<semaphore_mem>>) src(%dma_wait3A_209 : memref<49152xf32, #tpu.memory_space<hbm>>) dst(%dma_wait3A_208 : memref<49152xf32, #tpu.memory_space<vmem_shared>>)
    %add3A_210 = arith.constant 344064 : i32
    %add3A_211 = arith.addi %mul3A_2, %add3A_210 : i32
    %dma_start3A_212 = arith.constant 1 : i32
    %dma_start3A_213 = tpu.memref_slice %arg5[%add3A_211] : memref<25165824xf32, #tpu.memory_space<hbm>> -> memref<49152xf32, #tpu.memory_space<hbm>>
    %dma_start3A_214 = arith.constant 0 : i32
    %dma_start3A_215 = tpu.memref_slice %arg8[%dma_start3A_212, %arg1, %dma_start3A_214] : memref<2x16x49152xf32, #tpu.memory_space<vmem_shared>> -> memref<1x1x49152xf32, #tpu.memory_space<vmem_shared>>
    %dma_start3A_216 = tpu.memref_squeeze %dma_start3A_215 : memref<1x1x49152xf32, #tpu.memory_space<vmem_shared>> -> memref<49152xf32, #tpu.memory_space<vmem_shared>>
    tpu.enqueue_dma source(%dma_start3A_216 : memref<49152xf32, #tpu.memory_space<vmem_shared>>) target(%dma_start3A_213 : memref<49152xf32, #tpu.memory_space<hbm>>) target_semaphore(%arg12 : memref<!tpu.dma_semaphore, #tpu.memory_space<semaphore_mem>>)
    %add3A_217 = arith.constant 294912 : i32
    %add3A_218 = arith.addi %mul3A_2, %add3A_217 : i32
    %dma_wait3A_219 = arith.constant 0 : i32
    %dma_wait3A_220 = tpu.memref_slice %arg5[%add3A_218] : memref<25165824xf32, #tpu.memory_space<hbm>> -> memref<49152xf32, #tpu.memory_space<hbm>>
    %dma_wait3A_221 = arith.constant 0 : i32
    %dma_wait3A_222 = tpu.memref_slice %arg8[%dma_wait3A_219, %arg1, %dma_wait3A_221] : memref<2x16x49152xf32, #tpu.memory_space<vmem_shared>> -> memref<1x1x49152xf32, #tpu.memory_space<vmem_shared>>
    %dma_wait3A_223 = tpu.memref_squeeze %dma_wait3A_222 : memref<1x1x49152xf32, #tpu.memory_space<vmem_shared>> -> memref<49152xf32, #tpu.memory_space<vmem_shared>>
    tpu.wait_dma2 semaphore(%arg11 : memref<!tpu.dma_semaphore, #tpu.memory_space<semaphore_mem>>) src(%dma_wait3A_223 : memref<49152xf32, #tpu.memory_space<vmem_shared>>) dst(%dma_wait3A_220 : memref<49152xf32, #tpu.memory_space<hbm>>)
    %add3A_224 = arith.constant 393216 : i32
    %add3A_225 = arith.addi %mul3A_2, %add3A_224 : i32
    %dma_start3A_226 = arith.constant 0 : i32
    %dma_start3A_227 = arith.constant 0 : i32
    %dma_start3A_228 = tpu.memref_slice %arg8[%dma_start3A_226, %arg1, %dma_start3A_227] : memref<2x16x49152xf32, #tpu.memory_space<vmem_shared>> -> memref<1x1x49152xf32, #tpu.memory_space<vmem_shared>>
    %dma_start3A_229 = tpu.memref_squeeze %dma_start3A_228 : memref<1x1x49152xf32, #tpu.memory_space<vmem_shared>> -> memref<49152xf32, #tpu.memory_space<vmem_shared>>
    %dma_start3A_230 = tpu.memref_slice %arg2[%add3A_225] : memref<25165824xf32, #tpu.memory_space<hbm>> -> memref<49152xf32, #tpu.memory_space<hbm>>
    tpu.enqueue_dma source(%dma_start3A_230 : memref<49152xf32, #tpu.memory_space<hbm>>) target(%dma_start3A_229 : memref<49152xf32, #tpu.memory_space<vmem_shared>>) target_semaphore(%arg9 : memref<!tpu.dma_semaphore, #tpu.memory_space<semaphore_mem>>)
    %add3A_231 = arith.constant 393216 : i32
    %add3A_232 = arith.addi %mul3A_2, %add3A_231 : i32
    %dma_wait3A_233 = arith.constant 0 : i32
    %dma_wait3A_234 = arith.constant 0 : i32
    %dma_wait3A_235 = tpu.memref_slice %arg8[%dma_wait3A_233, %arg1, %dma_wait3A_234] : memref<2x16x49152xf32, #tpu.memory_space<vmem_shared>> -> memref<1x1x49152xf32, #tpu.memory_space<vmem_shared>>
    %dma_wait3A_236 = tpu.memref_squeeze %dma_wait3A_235 : memref<1x1x49152xf32, #tpu.memory_space<vmem_shared>> -> memref<49152xf32, #tpu.memory_space<vmem_shared>>
    %dma_wait3A_237 = tpu.memref_slice %arg2[%add3A_232] : memref<25165824xf32, #tpu.memory_space<hbm>> -> memref<49152xf32, #tpu.memory_space<hbm>>
    tpu.wait_dma2 semaphore(%arg9 : memref<!tpu.dma_semaphore, #tpu.memory_space<semaphore_mem>>) src(%dma_wait3A_237 : memref<49152xf32, #tpu.memory_space<hbm>>) dst(%dma_wait3A_236 : memref<49152xf32, #tpu.memory_space<vmem_shared>>)
    %add3A_238 = arith.constant 393216 : i32
    %add3A_239 = arith.addi %mul3A_2, %add3A_238 : i32
    %dma_start3A_240 = arith.constant 0 : i32
    %dma_start3A_241 = tpu.memref_slice %arg5[%add3A_239] : memref<25165824xf32, #tpu.memory_space<hbm>> -> memref<49152xf32, #tpu.memory_space<hbm>>
    %dma_start3A_242 = arith.constant 0 : i32
    %dma_start3A_243 = tpu.memref_slice %arg8[%dma_start3A_240, %arg1, %dma_start3A_242] : memref<2x16x49152xf32, #tpu.memory_space<vmem_shared>> -> memref<1x1x49152xf32, #tpu.memory_space<vmem_shared>>
    %dma_start3A_244 = tpu.memref_squeeze %dma_start3A_243 : memref<1x1x49152xf32, #tpu.memory_space<vmem_shared>> -> memref<49152xf32, #tpu.memory_space<vmem_shared>>
    tpu.enqueue_dma source(%dma_start3A_244 : memref<49152xf32, #tpu.memory_space<vmem_shared>>) target(%dma_start3A_241 : memref<49152xf32, #tpu.memory_space<hbm>>) target_semaphore(%arg11 : memref<!tpu.dma_semaphore, #tpu.memory_space<semaphore_mem>>)
    %add3A_245 = arith.constant 344064 : i32
    %add3A_246 = arith.addi %mul3A_2, %add3A_245 : i32
    %dma_wait3A_247 = arith.constant 1 : i32
    %dma_wait3A_248 = tpu.memref_slice %arg5[%add3A_246] : memref<25165824xf32, #tpu.memory_space<hbm>> -> memref<49152xf32, #tpu.memory_space<hbm>>
    %dma_wait3A_249 = arith.constant 0 : i32
    %dma_wait3A_250 = tpu.memref_slice %arg8[%dma_wait3A_247, %arg1, %dma_wait3A_249] : memref<2x16x49152xf32, #tpu.memory_space<vmem_shared>> -> memref<1x1x49152xf32, #tpu.memory_space<vmem_shared>>
    %dma_wait3A_251 = tpu.memref_squeeze %dma_wait3A_250 : memref<1x1x49152xf32, #tpu.memory_space<vmem_shared>> -> memref<49152xf32, #tpu.memory_space<vmem_shared>>
    tpu.wait_dma2 semaphore(%arg12 : memref<!tpu.dma_semaphore, #tpu.memory_space<semaphore_mem>>) src(%dma_wait3A_251 : memref<49152xf32, #tpu.memory_space<vmem_shared>>) dst(%dma_wait3A_248 : memref<49152xf32, #tpu.memory_space<hbm>>)
    %add3A_252 = arith.constant 442368 : i32
    %add3A_253 = arith.addi %mul3A_2, %add3A_252 : i32
    %dma_start3A_254 = arith.constant 1 : i32
    %dma_start3A_255 = arith.constant 0 : i32
    %dma_start3A_256 = tpu.memref_slice %arg8[%dma_start3A_254, %arg1, %dma_start3A_255] : memref<2x16x49152xf32, #tpu.memory_space<vmem_shared>> -> memref<1x1x49152xf32, #tpu.memory_space<vmem_shared>>
    %dma_start3A_257 = tpu.memref_squeeze %dma_start3A_256 : memref<1x1x49152xf32, #tpu.memory_space<vmem_shared>> -> memref<49152xf32, #tpu.memory_space<vmem_shared>>
    %dma_start3A_258 = tpu.memref_slice %arg2[%add3A_253] : memref<25165824xf32, #tpu.memory_space<hbm>> -> memref<49152xf32, #tpu.memory_space<hbm>>
    tpu.enqueue_dma source(%dma_start3A_258 : memref<49152xf32, #tpu.memory_space<hbm>>) target(%dma_start3A_257 : memref<49152xf32, #tpu.memory_space<vmem_shared>>) target_semaphore(%arg10 : memref<!tpu.dma_semaphore, #tpu.memory_space<semaphore_mem>>)
    %add3A_259 = arith.constant 442368 : i32
    %add3A_260 = arith.addi %mul3A_2, %add3A_259 : i32
    %dma_wait3A_261 = arith.constant 1 : i32
    %dma_wait3A_262 = arith.constant 0 : i32
    %dma_wait3A_263 = tpu.memref_slice %arg8[%dma_wait3A_261, %arg1, %dma_wait3A_262] : memref<2x16x49152xf32, #tpu.memory_space<vmem_shared>> -> memref<1x1x49152xf32, #tpu.memory_space<vmem_shared>>
    %dma_wait3A_264 = tpu.memref_squeeze %dma_wait3A_263 : memref<1x1x49152xf32, #tpu.memory_space<vmem_shared>> -> memref<49152xf32, #tpu.memory_space<vmem_shared>>
    %dma_wait3A_265 = tpu.memref_slice %arg2[%add3A_260] : memref<25165824xf32, #tpu.memory_space<hbm>> -> memref<49152xf32, #tpu.memory_space<hbm>>
    tpu.wait_dma2 semaphore(%arg10 : memref<!tpu.dma_semaphore, #tpu.memory_space<semaphore_mem>>) src(%dma_wait3A_265 : memref<49152xf32, #tpu.memory_space<hbm>>) dst(%dma_wait3A_264 : memref<49152xf32, #tpu.memory_space<vmem_shared>>)
    %add3A_266 = arith.constant 442368 : i32
    %add3A_267 = arith.addi %mul3A_2, %add3A_266 : i32
    %dma_start3A_268 = arith.constant 1 : i32
    %dma_start3A_269 = tpu.memref_slice %arg5[%add3A_267] : memref<25165824xf32, #tpu.memory_space<hbm>> -> memref<49152xf32, #tpu.memory_space<hbm>>
    %dma_start3A_270 = arith.constant 0 : i32
    %dma_start3A_271 = tpu.memref_slice %arg8[%dma_start3A_268, %arg1, %dma_start3A_270] : memref<2x16x49152xf32, #tpu.memory_space<vmem_shared>> -> memref<1x1x49152xf32, #tpu.memory_space<vmem_shared>>
    %dma_start3A_272 = tpu.memref_squeeze %dma_start3A_271 : memref<1x1x49152xf32, #tpu.memory_space<vmem_shared>> -> memref<49152xf32, #tpu.memory_space<vmem_shared>>
    tpu.enqueue_dma source(%dma_start3A_272 : memref<49152xf32, #tpu.memory_space<vmem_shared>>) target(%dma_start3A_269 : memref<49152xf32, #tpu.memory_space<hbm>>) target_semaphore(%arg12 : memref<!tpu.dma_semaphore, #tpu.memory_space<semaphore_mem>>)
    %add3A_273 = arith.constant 393216 : i32
    %add3A_274 = arith.addi %mul3A_2, %add3A_273 : i32
    %dma_wait3A_275 = arith.constant 0 : i32
    %dma_wait3A_276 = tpu.memref_slice %arg5[%add3A_274] : memref<25165824xf32, #tpu.memory_space<hbm>> -> memref<49152xf32, #tpu.memory_space<hbm>>
    %dma_wait3A_277 = arith.constant 0 : i32
    %dma_wait3A_278 = tpu.memref_slice %arg8[%dma_wait3A_275, %arg1, %dma_wait3A_277] : memref<2x16x49152xf32, #tpu.memory_space<vmem_shared>> -> memref<1x1x49152xf32, #tpu.memory_space<vmem_shared>>
    %dma_wait3A_279 = tpu.memref_squeeze %dma_wait3A_278 : memref<1x1x49152xf32, #tpu.memory_space<vmem_shared>> -> memref<49152xf32, #tpu.memory_space<vmem_shared>>
    tpu.wait_dma2 semaphore(%arg11 : memref<!tpu.dma_semaphore, #tpu.memory_space<semaphore_mem>>) src(%dma_wait3A_279 : memref<49152xf32, #tpu.memory_space<vmem_shared>>) dst(%dma_wait3A_276 : memref<49152xf32, #tpu.memory_space<hbm>>)
    %add3A_280 = arith.constant 491520 : i32
    %add3A_281 = arith.addi %mul3A_2, %add3A_280 : i32
    %dma_start3A_282 = arith.constant 0 : i32
    %dma_start3A_283 = arith.constant 0 : i32
    %dma_start3A_284 = tpu.memref_slice %arg8[%dma_start3A_282, %arg1, %dma_start3A_283] : memref<2x16x49152xf32, #tpu.memory_space<vmem_shared>> -> memref<1x1x49152xf32, #tpu.memory_space<vmem_shared>>
    %dma_start3A_285 = tpu.memref_squeeze %dma_start3A_284 : memref<1x1x49152xf32, #tpu.memory_space<vmem_shared>> -> memref<49152xf32, #tpu.memory_space<vmem_shared>>
    %dma_start3A_286 = tpu.memref_slice %arg2[%add3A_281] : memref<25165824xf32, #tpu.memory_space<hbm>> -> memref<49152xf32, #tpu.memory_space<hbm>>
    tpu.enqueue_dma source(%dma_start3A_286 : memref<49152xf32, #tpu.memory_space<hbm>>) target(%dma_start3A_285 : memref<49152xf32, #tpu.memory_space<vmem_shared>>) target_semaphore(%arg9 : memref<!tpu.dma_semaphore, #tpu.memory_space<semaphore_mem>>)
    %add3A_287 = arith.constant 491520 : i32
    %add3A_288 = arith.addi %mul3A_2, %add3A_287 : i32
    %dma_wait3A_289 = arith.constant 0 : i32
    %dma_wait3A_290 = arith.constant 0 : i32
    %dma_wait3A_291 = tpu.memref_slice %arg8[%dma_wait3A_289, %arg1, %dma_wait3A_290] : memref<2x16x49152xf32, #tpu.memory_space<vmem_shared>> -> memref<1x1x49152xf32, #tpu.memory_space<vmem_shared>>
    %dma_wait3A_292 = tpu.memref_squeeze %dma_wait3A_291 : memref<1x1x49152xf32, #tpu.memory_space<vmem_shared>> -> memref<49152xf32, #tpu.memory_space<vmem_shared>>
    %dma_wait3A_293 = tpu.memref_slice %arg2[%add3A_288] : memref<25165824xf32, #tpu.memory_space<hbm>> -> memref<49152xf32, #tpu.memory_space<hbm>>
    tpu.wait_dma2 semaphore(%arg9 : memref<!tpu.dma_semaphore, #tpu.memory_space<semaphore_mem>>) src(%dma_wait3A_293 : memref<49152xf32, #tpu.memory_space<hbm>>) dst(%dma_wait3A_292 : memref<49152xf32, #tpu.memory_space<vmem_shared>>)
    %add3A_294 = arith.constant 491520 : i32
    %add3A_295 = arith.addi %mul3A_2, %add3A_294 : i32
    %dma_start3A_296 = arith.constant 0 : i32
    %dma_start3A_297 = tpu.memref_slice %arg5[%add3A_295] : memref<25165824xf32, #tpu.memory_space<hbm>> -> memref<49152xf32, #tpu.memory_space<hbm>>
    %dma_start3A_298 = arith.constant 0 : i32
    %dma_start3A_299 = tpu.memref_slice %arg8[%dma_start3A_296, %arg1, %dma_start3A_298] : memref<2x16x49152xf32, #tpu.memory_space<vmem_shared>> -> memref<1x1x49152xf32, #tpu.memory_space<vmem_shared>>
    %dma_start3A_300 = tpu.memref_squeeze %dma_start3A_299 : memref<1x1x49152xf32, #tpu.memory_space<vmem_shared>> -> memref<49152xf32, #tpu.memory_space<vmem_shared>>
    tpu.enqueue_dma source(%dma_start3A_300 : memref<49152xf32, #tpu.memory_space<vmem_shared>>) target(%dma_start3A_297 : memref<49152xf32, #tpu.memory_space<hbm>>) target_semaphore(%arg11 : memref<!tpu.dma_semaphore, #tpu.memory_space<semaphore_mem>>)
    %add3A_301 = arith.constant 442368 : i32
    %add3A_302 = arith.addi %mul3A_2, %add3A_301 : i32
    %dma_wait3A_303 = arith.constant 1 : i32
    %dma_wait3A_304 = tpu.memref_slice %arg5[%add3A_302] : memref<25165824xf32, #tpu.memory_space<hbm>> -> memref<49152xf32, #tpu.memory_space<hbm>>
    %dma_wait3A_305 = arith.constant 0 : i32
    %dma_wait3A_306 = tpu.memref_slice %arg8[%dma_wait3A_303, %arg1, %dma_wait3A_305] : memref<2x16x49152xf32, #tpu.memory_space<vmem_shared>> -> memref<1x1x49152xf32, #tpu.memory_space<vmem_shared>>
    %dma_wait3A_307 = tpu.memref_squeeze %dma_wait3A_306 : memref<1x1x49152xf32, #tpu.memory_space<vmem_shared>> -> memref<49152xf32, #tpu.memory_space<vmem_shared>>
    tpu.wait_dma2 semaphore(%arg12 : memref<!tpu.dma_semaphore, #tpu.memory_space<semaphore_mem>>) src(%dma_wait3A_307 : memref<49152xf32, #tpu.memory_space<vmem_shared>>) dst(%dma_wait3A_304 : memref<49152xf32, #tpu.memory_space<hbm>>)
    %add3A_308 = arith.constant 540672 : i32
    %add3A_309 = arith.addi %mul3A_2, %add3A_308 : i32
    %dma_start3A_310 = arith.constant 1 : i32
    %dma_start3A_311 = arith.constant 0 : i32
    %dma_start3A_312 = tpu.memref_slice %arg8[%dma_start3A_310, %arg1, %dma_start3A_311] : memref<2x16x49152xf32, #tpu.memory_space<vmem_shared>> -> memref<1x1x49152xf32, #tpu.memory_space<vmem_shared>>
    %dma_start3A_313 = tpu.memref_squeeze %dma_start3A_312 : memref<1x1x49152xf32, #tpu.memory_space<vmem_shared>> -> memref<49152xf32, #tpu.memory_space<vmem_shared>>
    %dma_start3A_314 = tpu.memref_slice %arg2[%add3A_309] : memref<25165824xf32, #tpu.memory_space<hbm>> -> memref<49152xf32, #tpu.memory_space<hbm>>
    tpu.enqueue_dma source(%dma_start3A_314 : memref<49152xf32, #tpu.memory_space<hbm>>) target(%dma_start3A_313 : memref<49152xf32, #tpu.memory_space<vmem_shared>>) target_semaphore(%arg10 : memref<!tpu.dma_semaphore, #tpu.memory_space<semaphore_mem>>)
    %add3A_315 = arith.constant 540672 : i32
    %add3A_316 = arith.addi %mul3A_2, %add3A_315 : i32
    %dma_wait3A_317 = arith.constant 1 : i32
    %dma_wait3A_318 = arith.constant 0 : i32
    %dma_wait3A_319 = tpu.memref_slice %arg8[%dma_wait3A_317, %arg1, %dma_wait3A_318] : memref<2x16x49152xf32, #tpu.memory_space<vmem_shared>> -> memref<1x1x49152xf32, #tpu.memory_space<vmem_shared>>
    %dma_wait3A_320 = tpu.memref_squeeze %dma_wait3A_319 : memref<1x1x49152xf32, #tpu.memory_space<vmem_shared>> -> memref<49152xf32, #tpu.memory_space<vmem_shared>>
    %dma_wait3A_321 = tpu.memref_slice %arg2[%add3A_316] : memref<25165824xf32, #tpu.memory_space<hbm>> -> memref<49152xf32, #tpu.memory_space<hbm>>
    tpu.wait_dma2 semaphore(%arg10 : memref<!tpu.dma_semaphore, #tpu.memory_space<semaphore_mem>>) src(%dma_wait3A_321 : memref<49152xf32, #tpu.memory_space<hbm>>) dst(%dma_wait3A_320 : memref<49152xf32, #tpu.memory_space<vmem_shared>>)
    %add3A_322 = arith.constant 540672 : i32
    %add3A_323 = arith.addi %mul3A_2, %add3A_322 : i32
    %dma_start3A_324 = arith.constant 1 : i32
    %dma_start3A_325 = tpu.memref_slice %arg5[%add3A_323] : memref<25165824xf32, #tpu.memory_space<hbm>> -> memref<49152xf32, #tpu.memory_space<hbm>>
    %dma_start3A_326 = arith.constant 0 : i32
    %dma_start3A_327 = tpu.memref_slice %arg8[%dma_start3A_324, %arg1, %dma_start3A_326] : memref<2x16x49152xf32, #tpu.memory_space<vmem_shared>> -> memref<1x1x49152xf32, #tpu.memory_space<vmem_shared>>
    %dma_start3A_328 = tpu.memref_squeeze %dma_start3A_327 : memref<1x1x49152xf32, #tpu.memory_space<vmem_shared>> -> memref<49152xf32, #tpu.memory_space<vmem_shared>>
    tpu.enqueue_dma source(%dma_start3A_328 : memref<49152xf32, #tpu.memory_space<vmem_shared>>) target(%dma_start3A_325 : memref<49152xf32, #tpu.memory_space<hbm>>) target_semaphore(%arg12 : memref<!tpu.dma_semaphore, #tpu.memory_space<semaphore_mem>>)
    %add3A_329 = arith.constant 491520 : i32
    %add3A_330 = arith.addi %mul3A_2, %add3A_329 : i32
    %dma_wait3A_331 = arith.constant 0 : i32
    %dma_wait3A_332 = tpu.memref_slice %arg5[%add3A_330] : memref<25165824xf32, #tpu.memory_space<hbm>> -> memref<49152xf32, #tpu.memory_space<hbm>>
    %dma_wait3A_333 = arith.constant 0 : i32
    %dma_wait3A_334 = tpu.memref_slice %arg8[%dma_wait3A_331, %arg1, %dma_wait3A_333] : memref<2x16x49152xf32, #tpu.memory_space<vmem_shared>> -> memref<1x1x49152xf32, #tpu.memory_space<vmem_shared>>
    %dma_wait3A_335 = tpu.memref_squeeze %dma_wait3A_334 : memref<1x1x49152xf32, #tpu.memory_space<vmem_shared>> -> memref<49152xf32, #tpu.memory_space<vmem_shared>>
    tpu.wait_dma2 semaphore(%arg11 : memref<!tpu.dma_semaphore, #tpu.memory_space<semaphore_mem>>) src(%dma_wait3A_335 : memref<49152xf32, #tpu.memory_space<vmem_shared>>) dst(%dma_wait3A_332 : memref<49152xf32, #tpu.memory_space<hbm>>)
    %add3A_336 = arith.constant 589824 : i32
    %add3A_337 = arith.addi %mul3A_2, %add3A_336 : i32
    %dma_start3A_338 = arith.constant 0 : i32
    %dma_start3A_339 = arith.constant 0 : i32
    %dma_start3A_340 = tpu.memref_slice %arg8[%dma_start3A_338, %arg1, %dma_start3A_339] : memref<2x16x49152xf32, #tpu.memory_space<vmem_shared>> -> memref<1x1x49152xf32, #tpu.memory_space<vmem_shared>>
    %dma_start3A_341 = tpu.memref_squeeze %dma_start3A_340 : memref<1x1x49152xf32, #tpu.memory_space<vmem_shared>> -> memref<49152xf32, #tpu.memory_space<vmem_shared>>
    %dma_start3A_342 = tpu.memref_slice %arg2[%add3A_337] : memref<25165824xf32, #tpu.memory_space<hbm>> -> memref<49152xf32, #tpu.memory_space<hbm>>
    tpu.enqueue_dma source(%dma_start3A_342 : memref<49152xf32, #tpu.memory_space<hbm>>) target(%dma_start3A_341 : memref<49152xf32, #tpu.memory_space<vmem_shared>>) target_semaphore(%arg9 : memref<!tpu.dma_semaphore, #tpu.memory_space<semaphore_mem>>)
    %add3A_343 = arith.constant 589824 : i32
    %add3A_344 = arith.addi %mul3A_2, %add3A_343 : i32
    %dma_wait3A_345 = arith.constant 0 : i32
    %dma_wait3A_346 = arith.constant 0 : i32
    %dma_wait3A_347 = tpu.memref_slice %arg8[%dma_wait3A_345, %arg1, %dma_wait3A_346] : memref<2x16x49152xf32, #tpu.memory_space<vmem_shared>> -> memref<1x1x49152xf32, #tpu.memory_space<vmem_shared>>
    %dma_wait3A_348 = tpu.memref_squeeze %dma_wait3A_347 : memref<1x1x49152xf32, #tpu.memory_space<vmem_shared>> -> memref<49152xf32, #tpu.memory_space<vmem_shared>>
    %dma_wait3A_349 = tpu.memref_slice %arg2[%add3A_344] : memref<25165824xf32, #tpu.memory_space<hbm>> -> memref<49152xf32, #tpu.memory_space<hbm>>
    tpu.wait_dma2 semaphore(%arg9 : memref<!tpu.dma_semaphore, #tpu.memory_space<semaphore_mem>>) src(%dma_wait3A_349 : memref<49152xf32, #tpu.memory_space<hbm>>) dst(%dma_wait3A_348 : memref<49152xf32, #tpu.memory_space<vmem_shared>>)
    %add3A_350 = arith.constant 589824 : i32
    %add3A_351 = arith.addi %mul3A_2, %add3A_350 : i32
    %dma_start3A_352 = arith.constant 0 : i32
    %dma_start3A_353 = tpu.memref_slice %arg5[%add3A_351] : memref<25165824xf32, #tpu.memory_space<hbm>> -> memref<49152xf32, #tpu.memory_space<hbm>>
    %dma_start3A_354 = arith.constant 0 : i32
    %dma_start3A_355 = tpu.memref_slice %arg8[%dma_start3A_352, %arg1, %dma_start3A_354] : memref<2x16x49152xf32, #tpu.memory_space<vmem_shared>> -> memref<1x1x49152xf32, #tpu.memory_space<vmem_shared>>
    %dma_start3A_356 = tpu.memref_squeeze %dma_start3A_355 : memref<1x1x49152xf32, #tpu.memory_space<vmem_shared>> -> memref<49152xf32, #tpu.memory_space<vmem_shared>>
    tpu.enqueue_dma source(%dma_start3A_356 : memref<49152xf32, #tpu.memory_space<vmem_shared>>) target(%dma_start3A_353 : memref<49152xf32, #tpu.memory_space<hbm>>) target_semaphore(%arg11 : memref<!tpu.dma_semaphore, #tpu.memory_space<semaphore_mem>>)
    %add3A_357 = arith.constant 540672 : i32
    %add3A_358 = arith.addi %mul3A_2, %add3A_357 : i32
    %dma_wait3A_359 = arith.constant 1 : i32
    %dma_wait3A_360 = tpu.memref_slice %arg5[%add3A_358] : memref<25165824xf32, #tpu.memory_space<hbm>> -> memref<49152xf32, #tpu.memory_space<hbm>>
    %dma_wait3A_361 = arith.constant 0 : i32
    %dma_wait3A_362 = tpu.memref_slice %arg8[%dma_wait3A_359, %arg1, %dma_wait3A_361] : memref<2x16x49152xf32, #tpu.memory_space<vmem_shared>> -> memref<1x1x49152xf32, #tpu.memory_space<vmem_shared>>
    %dma_wait3A_363 = tpu.memref_squeeze %dma_wait3A_362 : memref<1x1x49152xf32, #tpu.memory_space<vmem_shared>> -> memref<49152xf32, #tpu.memory_space<vmem_shared>>
    tpu.wait_dma2 semaphore(%arg12 : memref<!tpu.dma_semaphore, #tpu.memory_space<semaphore_mem>>) src(%dma_wait3A_363 : memref<49152xf32, #tpu.memory_space<vmem_shared>>) dst(%dma_wait3A_360 : memref<49152xf32, #tpu.memory_space<hbm>>)
    %add3A_364 = arith.constant 638976 : i32
    %add3A_365 = arith.addi %mul3A_2, %add3A_364 : i32
    %dma_start3A_366 = arith.constant 1 : i32
    %dma_start3A_367 = arith.constant 0 : i32
    %dma_start3A_368 = tpu.memref_slice %arg8[%dma_start3A_366, %arg1, %dma_start3A_367] : memref<2x16x49152xf32, #tpu.memory_space<vmem_shared>> -> memref<1x1x49152xf32, #tpu.memory_space<vmem_shared>>
    %dma_start3A_369 = tpu.memref_squeeze %dma_start3A_368 : memref<1x1x49152xf32, #tpu.memory_space<vmem_shared>> -> memref<49152xf32, #tpu.memory_space<vmem_shared>>
    %dma_start3A_370 = tpu.memref_slice %arg2[%add3A_365] : memref<25165824xf32, #tpu.memory_space<hbm>> -> memref<49152xf32, #tpu.memory_space<hbm>>
    tpu.enqueue_dma source(%dma_start3A_370 : memref<49152xf32, #tpu.memory_space<hbm>>) target(%dma_start3A_369 : memref<49152xf32, #tpu.memory_space<vmem_shared>>) target_semaphore(%arg10 : memref<!tpu.dma_semaphore, #tpu.memory_space<semaphore_mem>>)
    %add3A_371 = arith.constant 638976 : i32
    %add3A_372 = arith.addi %mul3A_2, %add3A_371 : i32
    %dma_wait3A_373 = arith.constant 1 : i32
    %dma_wait3A_374 = arith.constant 0 : i32
    %dma_wait3A_375 = tpu.memref_slice %arg8[%dma_wait3A_373, %arg1, %dma_wait3A_374] : memref<2x16x49152xf32, #tpu.memory_space<vmem_shared>> -> memref<1x1x49152xf32, #tpu.memory_space<vmem_shared>>
    %dma_wait3A_376 = tpu.memref_squeeze %dma_wait3A_375 : memref<1x1x49152xf32, #tpu.memory_space<vmem_shared>> -> memref<49152xf32, #tpu.memory_space<vmem_shared>>
    %dma_wait3A_377 = tpu.memref_slice %arg2[%add3A_372] : memref<25165824xf32, #tpu.memory_space<hbm>> -> memref<49152xf32, #tpu.memory_space<hbm>>
    tpu.wait_dma2 semaphore(%arg10 : memref<!tpu.dma_semaphore, #tpu.memory_space<semaphore_mem>>) src(%dma_wait3A_377 : memref<49152xf32, #tpu.memory_space<hbm>>) dst(%dma_wait3A_376 : memref<49152xf32, #tpu.memory_space<vmem_shared>>)
    %add3A_378 = arith.constant 638976 : i32
    %add3A_379 = arith.addi %mul3A_2, %add3A_378 : i32
    %dma_start3A_380 = arith.constant 1 : i32
    %dma_start3A_381 = tpu.memref_slice %arg5[%add3A_379] : memref<25165824xf32, #tpu.memory_space<hbm>> -> memref<49152xf32, #tpu.memory_space<hbm>>
    %dma_start3A_382 = arith.constant 0 : i32
    %dma_start3A_383 = tpu.memref_slice %arg8[%dma_start3A_380, %arg1, %dma_start3A_382] : memref<2x16x49152xf32, #tpu.memory_space<vmem_shared>> -> memref<1x1x49152xf32, #tpu.memory_space<vmem_shared>>
    %dma_start3A_384 = tpu.memref_squeeze %dma_start3A_383 : memref<1x1x49152xf32, #tpu.memory_space<vmem_shared>> -> memref<49152xf32, #tpu.memory_space<vmem_shared>>
    tpu.enqueue_dma source(%dma_start3A_384 : memref<49152xf32, #tpu.memory_space<vmem_shared>>) target(%dma_start3A_381 : memref<49152xf32, #tpu.memory_space<hbm>>) target_semaphore(%arg12 : memref<!tpu.dma_semaphore, #tpu.memory_space<semaphore_mem>>)
    %add3A_385 = arith.constant 589824 : i32
    %add3A_386 = arith.addi %mul3A_2, %add3A_385 : i32
    %dma_wait3A_387 = arith.constant 0 : i32
    %dma_wait3A_388 = tpu.memref_slice %arg5[%add3A_386] : memref<25165824xf32, #tpu.memory_space<hbm>> -> memref<49152xf32, #tpu.memory_space<hbm>>
    %dma_wait3A_389 = arith.constant 0 : i32
    %dma_wait3A_390 = tpu.memref_slice %arg8[%dma_wait3A_387, %arg1, %dma_wait3A_389] : memref<2x16x49152xf32, #tpu.memory_space<vmem_shared>> -> memref<1x1x49152xf32, #tpu.memory_space<vmem_shared>>
    %dma_wait3A_391 = tpu.memref_squeeze %dma_wait3A_390 : memref<1x1x49152xf32, #tpu.memory_space<vmem_shared>> -> memref<49152xf32, #tpu.memory_space<vmem_shared>>
    tpu.wait_dma2 semaphore(%arg11 : memref<!tpu.dma_semaphore, #tpu.memory_space<semaphore_mem>>) src(%dma_wait3A_391 : memref<49152xf32, #tpu.memory_space<vmem_shared>>) dst(%dma_wait3A_388 : memref<49152xf32, #tpu.memory_space<hbm>>)
    %add3A_392 = arith.constant 688128 : i32
    %add3A_393 = arith.addi %mul3A_2, %add3A_392 : i32
    %dma_start3A_394 = arith.constant 0 : i32
    %dma_start3A_395 = arith.constant 0 : i32
    %dma_start3A_396 = tpu.memref_slice %arg8[%dma_start3A_394, %arg1, %dma_start3A_395] : memref<2x16x49152xf32, #tpu.memory_space<vmem_shared>> -> memref<1x1x49152xf32, #tpu.memory_space<vmem_shared>>
    %dma_start3A_397 = tpu.memref_squeeze %dma_start3A_396 : memref<1x1x49152xf32, #tpu.memory_space<vmem_shared>> -> memref<49152xf32, #tpu.memory_space<vmem_shared>>
    %dma_start3A_398 = tpu.memref_slice %arg2[%add3A_393] : memref<25165824xf32, #tpu.memory_space<hbm>> -> memref<49152xf32, #tpu.memory_space<hbm>>
    tpu.enqueue_dma source(%dma_start3A_398 : memref<49152xf32, #tpu.memory_space<hbm>>) target(%dma_start3A_397 : memref<49152xf32, #tpu.memory_space<vmem_shared>>) target_semaphore(%arg9 : memref<!tpu.dma_semaphore, #tpu.memory_space<semaphore_mem>>)
    %add3A_399 = arith.constant 688128 : i32
    %add3A_400 = arith.addi %mul3A_2, %add3A_399 : i32
    %dma_wait3A_401 = arith.constant 0 : i32
    %dma_wait3A_402 = arith.constant 0 : i32
    %dma_wait3A_403 = tpu.memref_slice %arg8[%dma_wait3A_401, %arg1, %dma_wait3A_402] : memref<2x16x49152xf32, #tpu.memory_space<vmem_shared>> -> memref<1x1x49152xf32, #tpu.memory_space<vmem_shared>>
    %dma_wait3A_404 = tpu.memref_squeeze %dma_wait3A_403 : memref<1x1x49152xf32, #tpu.memory_space<vmem_shared>> -> memref<49152xf32, #tpu.memory_space<vmem_shared>>
    %dma_wait3A_405 = tpu.memref_slice %arg2[%add3A_400] : memref<25165824xf32, #tpu.memory_space<hbm>> -> memref<49152xf32, #tpu.memory_space<hbm>>
    tpu.wait_dma2 semaphore(%arg9 : memref<!tpu.dma_semaphore, #tpu.memory_space<semaphore_mem>>) src(%dma_wait3A_405 : memref<49152xf32, #tpu.memory_space<hbm>>) dst(%dma_wait3A_404 : memref<49152xf32, #tpu.memory_space<vmem_shared>>)
    %add3A_406 = arith.constant 688128 : i32
    %add3A_407 = arith.addi %mul3A_2, %add3A_406 : i32
    %dma_start3A_408 = arith.constant 0 : i32
    %dma_start3A_409 = tpu.memref_slice %arg5[%add3A_407] : memref<25165824xf32, #tpu.memory_space<hbm>> -> memref<49152xf32, #tpu.memory_space<hbm>>
    %dma_start3A_410 = arith.constant 0 : i32
    %dma_start3A_411 = tpu.memref_slice %arg8[%dma_start3A_408, %arg1, %dma_start3A_410] : memref<2x16x49152xf32, #tpu.memory_space<vmem_shared>> -> memref<1x1x49152xf32, #tpu.memory_space<vmem_shared>>
    %dma_start3A_412 = tpu.memref_squeeze %dma_start3A_411 : memref<1x1x49152xf32, #tpu.memory_space<vmem_shared>> -> memref<49152xf32, #tpu.memory_space<vmem_shared>>
    tpu.enqueue_dma source(%dma_start3A_412 : memref<49152xf32, #tpu.memory_space<vmem_shared>>) target(%dma_start3A_409 : memref<49152xf32, #tpu.memory_space<hbm>>) target_semaphore(%arg11 : memref<!tpu.dma_semaphore, #tpu.memory_space<semaphore_mem>>)
    %add3A_413 = arith.constant 638976 : i32
    %add3A_414 = arith.addi %mul3A_2, %add3A_413 : i32
    %dma_wait3A_415 = arith.constant 1 : i32
    %dma_wait3A_416 = tpu.memref_slice %arg5[%add3A_414] : memref<25165824xf32, #tpu.memory_space<hbm>> -> memref<49152xf32, #tpu.memory_space<hbm>>
    %dma_wait3A_417 = arith.constant 0 : i32
    %dma_wait3A_418 = tpu.memref_slice %arg8[%dma_wait3A_415, %arg1, %dma_wait3A_417] : memref<2x16x49152xf32, #tpu.memory_space<vmem_shared>> -> memref<1x1x49152xf32, #tpu.memory_space<vmem_shared>>
    %dma_wait3A_419 = tpu.memref_squeeze %dma_wait3A_418 : memref<1x1x49152xf32, #tpu.memory_space<vmem_shared>> -> memref<49152xf32, #tpu.memory_space<vmem_shared>>
    tpu.wait_dma2 semaphore(%arg12 : memref<!tpu.dma_semaphore, #tpu.memory_space<semaphore_mem>>) src(%dma_wait3A_419 : memref<49152xf32, #tpu.memory_space<vmem_shared>>) dst(%dma_wait3A_416 : memref<49152xf32, #tpu.memory_space<hbm>>)
    %add3A_420 = arith.constant 737280 : i32
    %add3A_421 = arith.addi %mul3A_2, %add3A_420 : i32
    %dma_start3A_422 = arith.constant 1 : i32
    %dma_start3A_423 = arith.constant 0 : i32
    %dma_start3A_424 = tpu.memref_slice %arg8[%dma_start3A_422, %arg1, %dma_start3A_423] : memref<2x16x49152xf32, #tpu.memory_space<vmem_shared>> -> memref<1x1x49152xf32, #tpu.memory_space<vmem_shared>>
    %dma_start3A_425 = tpu.memref_squeeze %dma_start3A_424 : memref<1x1x49152xf32, #tpu.memory_space<vmem_shared>> -> memref<49152xf32, #tpu.memory_space<vmem_shared>>
    %dma_start3A_426 = tpu.memref_slice %arg2[%add3A_421] : memref<25165824xf32, #tpu.memory_space<hbm>> -> memref<49152xf32, #tpu.memory_space<hbm>>
    tpu.enqueue_dma source(%dma_start3A_426 : memref<49152xf32, #tpu.memory_space<hbm>>) target(%dma_start3A_425 : memref<49152xf32, #tpu.memory_space<vmem_shared>>) target_semaphore(%arg10 : memref<!tpu.dma_semaphore, #tpu.memory_space<semaphore_mem>>)
    %add3A_427 = arith.constant 737280 : i32
    %add3A_428 = arith.addi %mul3A_2, %add3A_427 : i32
    %dma_wait3A_429 = arith.constant 1 : i32
    %dma_wait3A_430 = arith.constant 0 : i32
    %dma_wait3A_431 = tpu.memref_slice %arg8[%dma_wait3A_429, %arg1, %dma_wait3A_430] : memref<2x16x49152xf32, #tpu.memory_space<vmem_shared>> -> memref<1x1x49152xf32, #tpu.memory_space<vmem_shared>>
    %dma_wait3A_432 = tpu.memref_squeeze %dma_wait3A_431 : memref<1x1x49152xf32, #tpu.memory_space<vmem_shared>> -> memref<49152xf32, #tpu.memory_space<vmem_shared>>
    %dma_wait3A_433 = tpu.memref_slice %arg2[%add3A_428] : memref<25165824xf32, #tpu.memory_space<hbm>> -> memref<49152xf32, #tpu.memory_space<hbm>>
    tpu.wait_dma2 semaphore(%arg10 : memref<!tpu.dma_semaphore, #tpu.memory_space<semaphore_mem>>) src(%dma_wait3A_433 : memref<49152xf32, #tpu.memory_space<hbm>>) dst(%dma_wait3A_432 : memref<49152xf32, #tpu.memory_space<vmem_shared>>)
    %add3A_434 = arith.constant 737280 : i32
    %add3A_435 = arith.addi %mul3A_2, %add3A_434 : i32
    %dma_start3A_436 = arith.constant 1 : i32
    %dma_start3A_437 = tpu.memref_slice %arg5[%add3A_435] : memref<25165824xf32, #tpu.memory_space<hbm>> -> memref<49152xf32, #tpu.memory_space<hbm>>
    %dma_start3A_438 = arith.constant 0 : i32
    %dma_start3A_439 = tpu.memref_slice %arg8[%dma_start3A_436, %arg1, %dma_start3A_438] : memref<2x16x49152xf32, #tpu.memory_space<vmem_shared>> -> memref<1x1x49152xf32, #tpu.memory_space<vmem_shared>>
    %dma_start3A_440 = tpu.memref_squeeze %dma_start3A_439 : memref<1x1x49152xf32, #tpu.memory_space<vmem_shared>> -> memref<49152xf32, #tpu.memory_space<vmem_shared>>
    tpu.enqueue_dma source(%dma_start3A_440 : memref<49152xf32, #tpu.memory_space<vmem_shared>>) target(%dma_start3A_437 : memref<49152xf32, #tpu.memory_space<hbm>>) target_semaphore(%arg12 : memref<!tpu.dma_semaphore, #tpu.memory_space<semaphore_mem>>)
    %add3A_441 = arith.constant 688128 : i32
    %add3A_442 = arith.addi %mul3A_2, %add3A_441 : i32
    %dma_wait3A_443 = arith.constant 0 : i32
    %dma_wait3A_444 = tpu.memref_slice %arg5[%add3A_442] : memref<25165824xf32, #tpu.memory_space<hbm>> -> memref<49152xf32, #tpu.memory_space<hbm>>
    %dma_wait3A_445 = arith.constant 0 : i32
    %dma_wait3A_446 = tpu.memref_slice %arg8[%dma_wait3A_443, %arg1, %dma_wait3A_445] : memref<2x16x49152xf32, #tpu.memory_space<vmem_shared>> -> memref<1x1x49152xf32, #tpu.memory_space<vmem_shared>>
    %dma_wait3A_447 = tpu.memref_squeeze %dma_wait3A_446 : memref<1x1x49152xf32, #tpu.memory_space<vmem_shared>> -> memref<49152xf32, #tpu.memory_space<vmem_shared>>
    tpu.wait_dma2 semaphore(%arg11 : memref<!tpu.dma_semaphore, #tpu.memory_space<semaphore_mem>>) src(%dma_wait3A_447 : memref<49152xf32, #tpu.memory_space<vmem_shared>>) dst(%dma_wait3A_444 : memref<49152xf32, #tpu.memory_space<hbm>>)
    %add3A_448 = arith.constant 737280 : i32
    %add3A_449 = arith.addi %mul3A_2, %add3A_448 : i32
    %dma_wait3A_450 = arith.constant 1 : i32
    %dma_wait3A_451 = tpu.memref_slice %arg5[%add3A_449] : memref<25165824xf32, #tpu.memory_space<hbm>> -> memref<49152xf32, #tpu.memory_space<hbm>>
    %dma_wait3A_452 = arith.constant 0 : i32
    %dma_wait3A_453 = tpu.memref_slice %arg8[%dma_wait3A_450, %arg1, %dma_wait3A_452] : memref<2x16x49152xf32, #tpu.memory_space<vmem_shared>> -> memref<1x1x49152xf32, #tpu.memory_space<vmem_shared>>
    %dma_wait3A_454 = tpu.memref_squeeze %dma_wait3A_453 : memref<1x1x49152xf32, #tpu.memory_space<vmem_shared>> -> memref<49152xf32, #tpu.memory_space<vmem_shared>>
    tpu.wait_dma2 semaphore(%arg12 : memref<!tpu.dma_semaphore, #tpu.memory_space<semaphore_mem>>) src(%dma_wait3A_454 : memref<49152xf32, #tpu.memory_space<vmem_shared>>) dst(%dma_wait3A_451 : memref<49152xf32, #tpu.memory_space<hbm>>)
    %dma_wait3A_455 = arith.constant 0 : i32
    %dma_wait3A_456 = tpu.memref_slice %arg3[%add3A, %dma_wait3A_455] : memref<32x13568xi32, #tpu.memory_space<hbm>> -> memref<1x13568xi32, #tpu.memory_space<hbm>>
    %dma_wait3A_457 = tpu.memref_squeeze %dma_wait3A_456 : memref<1x13568xi32, #tpu.memory_space<hbm>> -> memref<13568xi32, #tpu.memory_space<hbm>>
    %dma_wait3A_458 = arith.constant 0 : i32
    %dma_wait3A_459 = tpu.memref_slice %arg3[%add3A, %dma_wait3A_458] : memref<32x13568xi32, #tpu.memory_space<hbm>> -> memref<1x13568xi32, #tpu.memory_space<hbm>>
    %dma_wait3A_460 = tpu.memref_squeeze %dma_wait3A_459 : memref<1x13568xi32, #tpu.memory_space<hbm>> -> memref<13568xi32, #tpu.memory_space<hbm>>
    tpu.wait_dma2 semaphore(%arg13 : memref<!tpu.dma_semaphore, #tpu.memory_space<semaphore_mem>>) src(%dma_wait3A_460 : memref<13568xi32, #tpu.memory_space<hbm>>) dst(%arg6 : memref<13568xi32, #tpu.memory_space<vmem>>)
    tpu.wait_dma2 semaphore(%arg13 : memref<!tpu.dma_semaphore, #tpu.memory_space<semaphore_mem>>) src(%arg4 : memref<13568xf32, #tpu.memory_space<hbm>>) dst(%arg7 : memref<13568xf32, #tpu.memory_space<vmem>>)
    %dma_start3A_461 = arith.constant 0 : i32
    %dma_start3A_462 = tpu.memref_slice %arg5[%dma_start3A_461] : memref<25165824xf32, #tpu.memory_space<hbm>> -> memref<25165824xf32, #tpu.memory_space<hbm>>
    tpu.enqueue_indirect_dma source(%arg7 : memref<13568xf32, #tpu.memory_space<vmem>>) target(%dma_start3A_462 : memref<25165824xf32, #tpu.memory_space<hbm>>) offsets(%arg6 : memref<13568xi32, #tpu.memory_space<vmem>>) semaphore(%arg14 : memref<!tpu.dma_semaphore, #tpu.memory_space<semaphore_mem>>)
    %dma_wait3A_463 = arith.constant 0 : i32
    %dma_wait3A_464 = tpu.memref_slice %arg5[%dma_wait3A_463] : memref<25165824xf32, #tpu.memory_space<hbm>> -> memref<25165824xf32, #tpu.memory_space<hbm>>
    tpu.wait_indirect_dma semaphore(%arg14 : memref<!tpu.dma_semaphore, #tpu.memory_space<semaphore_mem>>) src(%arg7 : memref<13568xf32, #tpu.memory_space<vmem>>) dst(%dma_wait3A_464 : memref<25165824xf32, #tpu.memory_space<hbm>>)
    return
  }
}

</mosaic_0001>

<sc_bundles>
// kernel: kernel.3.cloned.1.call-start
scs
__scs_entry_jumppad:
0x0: {  	(pc) =	sbr.rel $0x88, $3  }
0x1: {  	(tag) =	ssettag $0x0;
	lr =	simm.s32 $0x1  }
0x2: {  	[smem:$0x3FA0] =	sst lr;
	_ =	strace $0xD0000000  }
0x3: {  	_ = 	snop  }
0x4: {  	_ = 	snop  }
0x5: {  	_ = 	snop  }
0x6: {  	_ = 	snop  }
0x7: {  	_ = 	snop  }
__scs_overlays_trampoline_lowered:
0x8: {  	[smem:$0x3FAF] =	sst s0  }
0x9: {  	[smem:$0x3FB0] =	sst s1  }
0xa: {  	[smem:$0x3FB1] =	sst s2  }
0xb: {  	[smem:$0x3FB2] =	sst s3  }
0xc: {  	[smem:$0x3FB3] =	sst s4  }
0xd: {  	[smem:$0x3FB4] =	sst s5  }
0xe: {  	[smem:$0x3FB5] =	sst s6  }
0xf: {  	[smem:$0x3FB6] =	sst s7  }
0x10: {  	[smem:$0x3FB7] =	sst s8  }
0x11: {  	[smem:$0x3FB8] =	sst s9;
	s0 =	simm.s32 @!p0 $0x0  }
0x12: {  	s1 =	sld [smem:$0x3F9E];
	s0 =	simm.s32 @p0 $0x1  }
0x13: {  	[smem:$0x3FB9] =	sst s0;
	s0 =	simm.s32 @!p1 $0x0  }
0x14: {  	s2 =	sld [smem:$0x3F9D];
	s0 =	simm.s32 @p1 $0x1  }
0x15: {  	[smem:$0x3FBA] =	sst s0;
	s0 =	simm.s32 @!p2 $0x0  }
0x16: {  	s3 =	sld [smem:$0x3FDB];
	s0 =	simm.s32 @p2 $0x1  }
0x17: {  	s4 =	simm.s32 $0x1BF5;
	[smem:$0x3FBC] =	sst s0  }
0x18: {  	s0 =	sld [smem:$0x3F9F];
	_ =	swait.ge [sflag:s4], $0x0  }
0x19: {  	s7 =	sld [smem:$0x3FA0]  }
0x1a: {  	s8 =	sadd.s32 $0xFFFFE003, lr  }
0x1b: {  	s9 =	sadd.s32 $0xFFFFFEF7, lr;
	s5 =	simm.s32 $0xFFFFFFFF;
	p2 =	slt.u32 s8, $0xFFFFF086  }
0x1c: {  	p1 =	slt.u32 s9, $0xF7A;
	s5 =	simm.s32 @!p2 $0x0  }
0x1d: {  	s5 =	simm.s32 @p1 $0x1;
	p0 =	seq.s32 s7, s2  }
0x1e: {  	s7 =	smul.u32 @!p0 $0xF7A, s2;
	p2 =	seq.s32 @!p0 s5, $0x0  }
0x1f: {  	s9 =	smul.u32 $0xF7A, s1;
	s8 =	simm.s32 @!p0 $0x1BF5;
	p2 =	por !p2, p0  }
0x20: {  	[sflag:s8] =	ssyncset.s32 @!p0 $0xFFFFF086;
	s6 =	sadd.s32 @!p0 s3, s7;
	s7 =	simm.s32 @!p0 $0x108  }
0x21: {  	s3 =	sadd.s32 s3, s9;
	s6 =	sadd.s32 @!p0 $0x88, s6;
	s7 =	simm.s32 @p2 $0x1082  }
0x22: {  	[simem:s7], [sflag:s8] =	dma.local @!p0 [hbm:s6], $0xF7A  }
0x23: {  	s9 =	sor.u32 $0xD0000000, s2;
	s6 =	simm.s32 $0x108;
	_ =	swait.ge @!p0 [sflag:s8], $0x0  }
0x24: {  	s3 =	sadd.s32 $0x88, s3;
	s6 =	simm.s32 @!p1 $0x1082;
	[sflag:s4] =	ssyncset.s32 $0xFFFFF086  }
0x25: {  	[simem:s6], [sflag:s4] =	dma.local [hbm:s3], $0xF7A  }
0x26: {  	[smem:$0x3FA0] =	sst s1;
	(tag) =	ssettag s2;
	_ =	strace s9  }
0x27: {  	s1 =	sld [smem:$0x3FB0]  }
0x28: {  	s2 =	sld [smem:$0x3FB1]  }
0x29: {  	s4 =	sld [smem:$0x3FB3]  }
0x2a: {  	p0 =	seq.s32 s5, $0x0;
	s5 =	sld [smem:$0x3FB4]  }
0x2b: {  	s6 =	sld [smem:$0x3FB5]  }
0x2c: {  	s7 =	sld [smem:$0x3FB6]  }
0x2d: {  	s3 =	simm.s32 $0x108;
	s8 =	sld [smem:$0x3FB7]  }
0x2e: {  	s3 =	simm.s32 @!p0 $0x1082;
	s9 =	sld [smem:$0x3FB8]  }
0x2f: {  	lr =	sadd.s32 s0, s3;
	s0 =	sld [smem:$0x3FAF]  }
0x30: {  	s3 =	sld [smem:$0x3FB2]  }
0x31: {  	[smem:$0x3FBB] =	sst s10  }
0x32: {  	s10 =	sld [smem:$0x3FB9];
	_ =	sdelay $0x3  }
0x33: {  	p0 =	seq.s32 s10, $0x1;
	s10 =	sld [smem:$0x3FBB];
	_ =	sdelay $0x3  }
0x34: {  	[smem:$0x3FBB] =	sst s10  }
0x35: {  	s10 =	sld [smem:$0x3FBA];
	_ =	sdelay $0x3  }
0x36: {  	p1 =	seq.s32 s10, $0x1;
	s10 =	sld [smem:$0x3FBB];
	_ =	sdelay $0x3  }
0x37: {  	[smem:$0x3FBB] =	sst s10  }
0x38: {  	s10 =	sld [smem:$0x3FBC]  }
0x39: {  	_ = 	snop;
	(pc) =	sbr.ind lr, $3  }
0x3a: {  	_ = 	snop  }
0x3b: {  	_ = 	snop  }
0x3c: {  	p2 =	seq.s32 s10, $0x1;
	s10 =	sld [smem:$0x3FBB]  }
0x3d: {  	_ =	shalt  }
0x3e: {  	_ =	shalt  }
0x3f: {  	_ =	shalt  }
0x40: {  	_ =	shalt  }
0x41: {  	_ =	shalt  }
0x42: {  	_ =	shalt  }
0x43: {  	_ =	shalt  }
0x44: {  	_ =	shalt  }
0x45: {  	_ =	shalt  }
0x46: {  	_ =	shalt  }
0x47: {  	_ =	shalt  }
0x48: {  	_ =	shalt  }
0x49: {  	_ =	shalt  }
0x4a: {  	_ =	shalt  }
0x4b: {  	_ =	shalt  }
0x4c: {  	_ =	shalt  }
0x4d: {  	_ =	shalt  }
0x4e: {  	_ =	shalt  }
0x4f: {  	_ =	shalt  }
0x50: {  	_ =	shalt  }
0x51: {  	_ =	shalt  }
0x52: {  	_ =	shalt  }
0x53: {  	_ =	shalt  }
0x54: {  	_ =	shalt  }
0x55: {  	_ =	shalt  }
0x56: {  	_ =	shalt  }
0x57: {  	_ =	shalt  }
0x58: {  	_ =	shalt  }
0x59: {  	_ =	shalt  }
0x5a: {  	_ =	shalt  }
0x5b: {  	_ =	shalt  }
0x5c: {  	_ =	shalt  }
0x5d: {  	_ =	shalt  }
0x5e: {  	_ =	shalt  }
0x5f: {  	_ =	shalt  }
0x60: {  	_ =	shalt  }
0x61: {  	_ =	shalt  }
0x62: {  	_ =	shalt  }
0x63: {  	_ =	shalt  }
0x64: {  	_ =	shalt  }
0x65: {  	_ =	shalt  }
0x66: {  	_ =	shalt  }
0x67: {  	_ =	shalt  }
0x68: {  	_ =	shalt  }
0x69: {  	_ =	shalt  }
0x6a: {  	_ =	shalt  }
0x6b: {  	_ =	shalt  }
0x6c: {  	_ =	shalt  }
0x6d: {  	_ =	shalt  }
0x6e: {  	_ =	shalt  }
0x6f: {  	_ =	shalt  }
0x70: {  	_ =	shalt  }
0x71: {  	_ =	shalt  }
0x72: {  	_ =	shalt  }
0x73: {  	_ =	shalt  }
0x74: {  	_ =	shalt  }
0x75: {  	_ =	shalt  }
0x76: {  	_ =	shalt  }
0x77: {  	_ =	shalt  }
0x78: {  	_ =	shalt  }
0x79: {  	_ =	shalt  }
0x7a: {  	_ =	shalt  }
0x7b: {  	_ =	shalt  }
0x7c: {  	_ =	shalt  }
0x7d: {  	_ =	shalt  }
0x7e: {  	_ =	shalt  }
0x7f: {  	_ =	shalt  }
0x80: {  	_ =	shalt  }
0x81: {  	_ =	shalt  }
0x82: {  	_ =	shalt  }
0x83: {  	_ =	shalt  }
0x84: {  	_ =	shalt  }
0x85: {  	_ =	shalt  }
0x86: {  	_ =	shalt  }
0x87: {  	_ =	shalt  }
.Lfunc_end0:
.L_simem_size_0:
called_computation.1_lowered:
.L_overlay_start_0:
0x88: {  	s2 =	sld [smem:$0x3FD9]  }
0x89: {  	s3 =	sld [smem:$0x3FFE];
	_ =	sdelay $0x1  }
0x8a: {  	s1 =	srdreg.scid  }
0x8b: {  	s0 =	sand.u32 $0x1, s1  }
0x8c: {  	s17 =	sshll.u32 s0, $0xA;
	s2 =	sadd.s32 s3, s2  }
0x8d: {  	s2 =	sadd.s32 s2, s17  }
0x8e: {  	[smem:$0x3FC7] =	sst s2  }
0x8f: {  	_ = 	snop  }
0x90: {  	s2 =	sld [smem:$0x3FD0];
	(tm) =	ssettm $0x1  }
0x91: {  	s18 =	sld [smem:$0x3FFB];
	_ =	sdelay $0x3  }
0x92: {  	_ =	strace s18  }
0x93: {  	s3 =	sld [smem:$0x3FFC];
	_ =	sdelay $0x3  }
0x94: {  	_ =	strace s3  }
0x95: {  	s3 =	sld [smem:$0x3FFD];
	_ =	sdelay $0x3  }
0x96: {  	_ =	strace s3  }
0x97: {  	_ =	strace $0x8FFFFFFF  }
0x98: {  	s19 =	sld [smem:$0x3FDB];
	_ =	sdelay $0x1  }
0x99: {  	s4 =	simm.s32 $_scs_section_size  }
0x9a: {  	s5 =	simm.s32 $_size__tile_overlayer_lowered;
	s6 =	simm.s32 $_tile_overlayer_lowered  }
0x9b: {  	s22 =	simm.s32 $0x1BFF;
	s21 =	sshll.u32 s6, $0x1;
	s3 =	sadd.s32 s4, s19  }
0x9c: {  	s7 =	simm.s32 $0x0;
	s20 =	sshll.u32 s5, $0x1;
	s5 =	sadd.s32 s21, s3  }
0x9d: {  	[timem:s7], [sflag:s22] =	dma.local [hbm:s5], s20  }
0x9e: {  	_ =	swait.ge [sflag:s22], s20  }
0x9f: {  	s4 =	ssub.s32 $0x0, s20;
	[sflag:s22] =	ssyncset.done $0x0  }
0xa0: {  	[sflag:s22] =	ssyncadd.s32 s4;
	_ =	sdelay $0x1  }
0xa1: {  	s23 =	simm.s32 $0x1B8B  }
0xa2: {  	_ =	swait.ge [sflag:s23], $0x1  }
0xa3: {  	[sflag:s23] =	ssyncset.done $0x0  }
0xa4: {  	s25 =	simm.s32 $0x1B8E;
	s24 =	sld [smem:$0x3FFE];
	[sflag:s23] =	ssyncadd.s32 $0xFFFFFFFF  }
0xa5: {  	s26 =	simm.s32 $execute0_lowered;
	[smem:$0x3FD2] =	sst s25  }
0xa6: {  	s5 =	sshll.u32 s26, $0x1;
	_ =	strace $0x80000049;
	[dreg:$0x1] =	wrdreg $0xFFFFFFFF  }
0xa7: {  	s28 =	simm.s32 $_size_execute0_lowered;
	s3 =	sadd.s32 s3, s5;
	[dreg:$0x0] =	wrdreg $0x0  }
0xa8: {  	s5 =	sshll.u32 s28, $0x1;
	[dreg:$0x2] =	wrdreg s3  }
0xa9: {  	[dreg:$0x3] =	wrdreg s5  }
0xaa: {  	[dreg:$0x4] =	wrdreg $0xC0  }
0xab: {  	_ =	task [dreg:s7], $0x5FFFF  }
0xac: {  	[dreg:$0x1] =	wrdreg $0xFFFFFFFF  }
0xad: {  	[dreg:$0x0] =	wrdreg $0x60  }
0xae: {  	[dreg:$0x2] =	wrdreg s2  }
0xaf: {  	[dreg:$0x3] =	wrdreg s24  }
0xb0: {  	[dreg:$0x4] =	wrdreg $0x6A000  }
0xb1: {  	[dreg:$0x5] =	wrdreg $0x9  }
0xb2: {  	_ =	task.clear_ibuf [dreg:s7], $0x6FFFF;
	_ =	strace $0x90000049  }
0xb3: {  	s29 =	simm.s32 $0x9;
	_ =	strace $0x8000004B  }
0xb4: {  	_ =	swait.ge [sflag:s29], $0x1  }
0xb5: {  	[sflag:s29] =	ssyncadd.s32 $0xFFFFFFFF  }
0xb6: {  	_ =	strace $0x9000004B  }
0xb7: {  	_ =	sfence  }
0xb8: {  	s30 =	sld [smem:$0x0];
	_ =	sdelay $0x2  }
0xb9: {  	s31 =	sshll.u32 s1, $0xD;
	s1 =	sshrl.u32 s1, $0x2  }
0xba: {  	s3 =	sand.u32 $0x4000, s31;
	s1 =	sadd.s32 s1, s30  }
0xbb: {  	s0 =	sor.u32 s3, s0;
	s1 =	sshll.u32 s1, $0x11  }
0xbc: {  	s0 =	sor.u32 s1, s0  }
0xbd: {  	s0 =	sadd.s32 $0x8F2B, s0  }
0xbe: {  	[sflag:s0] =	ssyncadd.remote.s32 $0x1  }
0xbf: {  	_ =	sfence.sel $0xFFFF  }
0xc0: {  	[dreg:$0x0] =	wrdreg $0xFFFFFFFF;
	(pc) =	sbr.abs _section_cstart, $3  }
0xc1: {  	[dreg:$0x1] =	wrdreg $0xFFFFFFFF  }
0xc2: {  	_ =	task.clear_ibuf [dreg:s7], $0x2FFFF;
	_ =	strace $0x9FFFFFFF  }
0xc3: {  	(tm) =	ssettm $0x7FFFFFFF  }
tec
execute0_lowered:
.L_overlay_start_1:
0x0: {  	(tag) =	ssettag $0x1  }
0x1: {  	s1 =	rddreg [dreg:$0x0]  }
0x2: {  	s0 =	rddreg [dreg:$0x1]  }
0x3: {  	s2 =	srdreg.scid;
	s4 =	rddreg [dreg:$0x2]  }
0x4: {  	s28 =	stileid.u32;
	s29 =	rddreg [dreg:$0x3]  }
0x5: {  	p0 =	por $0x0, $0x0;
	s5 =	sand.u32 $0x1, s2;
	s20 =	sshll.u32 s28, $0x1  }
0x6: {  	s6 =	sshrl.u32 s28, $0x2;
	s2 =	simm.s32 $0x0;
	s21 =	sadd.s32 $0xF200, s0  }
0x7: {  	s31 =	sshrl.u32 s28, $0x3;
	s13 =	sshll.u32 s28, $0x7;
	s3 =	sor.u32 s5, s20  }
0x8: {  	s6 =	smul.u32 $0x1A800, s6;
	[smem:$0x7FF] =	sst s2;
	s22 =	ssub.s32 $0x2, s5  }
0x9: {  	s7 =	sshll.u32 s3, $0x7;
	_ =	strace $0x8000004A;
	s8 =	smul.u32 $0xC0000, s3  }
0xa: {  	[dreg:$0x4] =	wrdreg s21;
	s3 =	sadd.s32 $0xFA00, s0;
	s7 =	sand.u32 $0x380, s7  }
0xb: {  	s23 =	sshrl.u32 s22, $0x1;
	s6 =	sor.u32 s6, s7;
	s5 =	sshrl.u32 s8, $0x3  }
0xc: {  	s6 =	sshrl.u32 s6, $0x3;
	s24 =	sadd.s32 s1, s5;
	s8 =	sadd.s32 s3, s5  }
0xd: {  	s9 =	sor.u32 $0x1800, s5;
	s30 =	sor.u32 $0x3000, s5;
	[dreg:$0x6] =	wrdreg s24  }
0xe: {  	s12 =	sor.u32 $0x4800, s5;
	[dreg:$0x7] =	wrdreg s8;
	s25 =	sadd.s32 s1, s9  }
0xf: {  	s16 =	sor.u32 $0x6000, s5;
	s26 =	sadd.s32 s3, s9;
	[dreg:$0x8] =	wrdreg s25  }
0x10: {  	s19 =	sor.u32 $0x7800, s5;
	s10 =	sadd.s32 s1, s30;
	[dreg:$0x9] =	wrdreg s26  }
0x11: {  	s6 =	sadd.s32 s6, s0;
	s11 =	sadd.s32 s3, s30;
	[dreg:$0xa] =	wrdreg s10  }
0x12: {  	s14 =	sadd.s32 s1, s12;
	s15 =	sadd.s32 s3, s12;
	[dreg:$0xb] =	wrdreg s11  }
0x13: {  	s9 =	sand.u32 $0x380, s13;
	s17 =	sadd.s32 s1, s16;
	[dreg:$0xc] =	wrdreg s14  }
0x14: {  	s18 =	sadd.s32 s3, s16;
	s8 =	smul.u32 $0x180000, s31;
	[dreg:$0xd] =	wrdreg s15  }
0x15: {  	s20 =	sadd.s32 s1, s19;
	s21 =	sadd.s32 s3, s19;
	[dreg:$0xe] =	wrdreg s17  }
0x16: {  	s31 =	sadd.s32 $0xC000, s5;
	s13 =	sadd.s32 $0xF000, s5;
	[dreg:$0xf] =	wrdreg s18  }
0x17: {  	s16 =	sadd.s32 $0x10800, s5;
	s19 =	sadd.s32 $0x13800, s5;
	[dreg:$0x10] =	wrdreg s20  }
0x18: {  	s6 =	sadd.s32 $0x1E00, s6;
	[dreg:$0x11] =	wrdreg s21;
	s25 =	sadd.s32 $0xA800, s5  }
0x19: {  	s10 =	sadd.s32 $0xD800, s5;
	s14 =	sadd.s32 s1, s13;
	s15 =	sadd.s32 s3, s13  }
0x1a: {  	s17 =	sadd.s32 s1, s16;
	s18 =	sadd.s32 $0x12000, s5;
	s20 =	sadd.s32 s1, s19  }
0x1b: {  	s19 =	sadd.s32 s3, s19;
	s13 =	simm.s32 $0x1;
	[dreg:$0x5] =	wrdreg s6  }
0x1c: {  	s6 =	ssub.s32 s22, s23;
	s22 =	sadd.s32 $0x9000, s5;
	[dreg:$0x1a] =	wrdreg s14  }
0x1d: {  	s8 =	sshrl.u32 s8, $0x2;
	s26 =	sadd.s32 s1, s25;
	[dreg:$0x1b] =	wrdreg s15  }
0x1e: {  	s30 =	sadd.s32 s3, s25;
	s11 =	sadd.s32 s1, s10;
	[dreg:$0x1c] =	wrdreg s17  }
0x1f: {  	s12 =	sadd.s32 s3, s10;
	s21 =	sadd.s32 s3, s18;
	[dreg:$0x14] =	wrdreg s26  }
0x20: {  	s14 =	simm.s32 $0x10;
	s15 =	simm.s32 $0x3;
	[dreg:$0x15] =	wrdreg s30  }
0x21: {  	s23 =	sadd.s32 s1, s22;
	s24 =	sadd.s32 s3, s22;
	[dreg:$0x18] =	wrdreg s11  }
0x22: {  	s4 =	sadd.s32 s8, s4;
	s8 =	sadd.s32 s1, s31;
	[dreg:$0x19] =	wrdreg s12  }
0x23: {  	s22 =	sadd.s32 s1, s18;
	s26 =	sadd.s32 $0x15000, s5;
	s0 =	rddreg [dreg:$0x5]  }
0x24: {  	s30 =	sadd.s32 $0x16800, s5;
	s5 =	simm.s32 $0x3500;
	[dreg:$0x12] =	wrdreg s23  }
0x25: {  	s18 =	simm.s32 $0x2;
	s11 =	simm.s32 $0x4;
	[dreg:$0x13] =	wrdreg s24  }
0x26: {  	s25 =	sadd.s32 s9, s4;
	s9 =	sadd.s32 s3, s31;
	s31 =	smax.u32 s6, $0x1  }
0x27: {  	[dreg:$0x16] =	wrdreg s8;
	s24 =	sshll.u32 s28, $0x6;
	p1 =	sne.s32 s31, $0x1  }
.Ltmp0:
0x28: {  	s23 =	sadd.s32 s3, s16;
	s17 =	sadd.s32 s1, s26;
	(pc) =	sbr.rel @!p1 .LBB2_5-.Ltmp0, $4  }
0x29: {  	s12 =	sadd.s32 s3, s26;
	s10 =	sadd.s32 s1, s30;
	s7 =	sadd.s32 s3, s30  }
0x2a: {  	s8 =	simm.s32 $0x80;
	s26 =	simm.s32 $0x400;
	s6 =	simm.s32 $0x6  }
0x2b: {  	[dreg:$0x17] =	wrdreg s9;
	s4 =	sor.u32 $0x1C01, s24;
	s9 =	sadd.s32 $0xC0000, s25  }
0x2c: {  	s1 =	sadd.s32 $0xFFFFFFFF, s31;
	s16 =	sshrl.u32 s9, $0x3;
	s9 =	simm.s32 $0x5  }
0x2d: {  	s29 =	rddreg [dreg:$0x6]  }
0x2e: {  	s30 =	rddreg [dreg:$0x4]  }
0x2f: {  	[tilespmem:s2], [sflag:$0x5] =	stream.strided.gather [hbm4b:s0+s8], $0x3500, s26, s8, $0x38;
	[tilespmem:$0x1EA00] =	vst v63  }
0x30: {  	[dreg:$0x1e] =	wrdreg s25;
	s28 =	sshrl.u32 s25, $0x3  }
0x31: {  	[tilespmem:s5], [sflag:$0x5] =	stream.linear.gather [hbm4b:s30+s2], $0x3500, $0x38;
	[tilespmem:$0x1EA00] =	vst v63  }
0x32: {  	[spmem:s28@s8], [sflag:s4] =	dma.strided [hbm:s29@s14], $0x1800, s13, $0x10   }
0x33: {  	_ =	swait.ge [sflag:s13], $0x1800  }
0x34: {  	[sflag:s13] =	ssyncset.done $0x0  }
0x35: {  	s29 =	sor.u32 $0x1C03, s24;
	s25 =	rddreg [dreg:$0x7];
	[sflag:s13] =	ssyncadd.s32 $0xFFFFE800  }
0x36: {  	[hbm:s25@s14], [sflag:s29] =	dma.strided [spmem:s28@s8], $0x1800, s13, $0x10   }
0x37: {  	s30 =	sor.u32 $0x1C02, s24;
	s0 =	rddreg [dreg:$0x8]  }
0x38: {  	[spmem:s16@s8], [sflag:s30] =	dma.strided [hbm:s0@s14], $0x1800, s13, $0x10   }
0x39: {  	_ =	swait.ge [sflag:s18], $0x1800  }
0x3a: {  	[dreg:$0x1d] =	wrdreg s24;
	[sflag:s18] =	ssyncset.done $0x0  }
0x3b: {  	s31 =	sor.u32 $0x1C04, s24;
	s25 =	rddreg [dreg:$0x9];
	[sflag:s18] =	ssyncadd.s32 $0xFFFFE800  }
0x3c: {  	[hbm:s25@s14], [sflag:s31] =	dma.strided [spmem:s16@s8], $0x1800, s13, $0x10   }
0x3d: {  	_ =	swait.ge [sflag:s15], $0x1800  }
0x3e: {  	[sflag:s15] =	ssyncset.done $0x0  }
0x3f: {  	s25 =	rddreg [dreg:$0xa];
	[sflag:s15] =	ssyncadd.s32 $0xFFFFE800  }
0x40: {  	[spmem:s28@s8], [sflag:s4] =	dma.strided [hbm:s25@s14], $0x1800, s13, $0x10   }
0x41: {  	_ =	swait.ge [sflag:s13], $0x1800  }
0x42: {  	[sflag:s13] =	ssyncset.done $0x0  }
0x43: {  	s24 =	rddreg [dreg:$0xb];
	[sflag:s13] =	ssyncadd.s32 $0xFFFFE800  }
0x44: {  	[hbm:s24@s14], [sflag:s29] =	dma.strided [spmem:s28@s8], $0x1800, s13, $0x10   }
0x45: {  	_ =	swait.ge [sflag:s11], $0x1800  }
0x46: {  	[sflag:s11] =	ssyncset.done $0x0  }
0x47: {  	s25 =	rddreg [dreg:$0xc];
	[sflag:s11] =	ssyncadd.s32 $0xFFFFE800  }
0x48: {  	[spmem:s16@s8], [sflag:s30] =	dma.strided [hbm:s25@s14], $0x1800, s13, $0x10   }
0x49: {  	_ =	swait.ge [sflag:s18], $0x1800  }
0x4a: {  	[sflag:s18] =	ssyncset.done $0x0  }
0x4b: {  	s24 =	rddreg [dreg:$0xd];
	[sflag:s18] =	ssyncadd.s32 $0xFFFFE800  }
0x4c: {  	[hbm:s24@s14], [sflag:s31] =	dma.strided [spmem:s16@s8], $0x1800, s13, $0x10   }
0x4d: {  	_ =	swait.ge [sflag:s15], $0x1800  }
0x4e: {  	[sflag:s15] =	ssyncset.done $0x0  }
0x4f: {  	s25 =	rddreg [dreg:$0xe];
	[sflag:s15] =	ssyncadd.s32 $0xFFFFE800  }
0x50: {  	[spmem:s28@s8], [sflag:s4] =	dma.strided [hbm:s25@s14], $0x1800, s13, $0x10   }
0x51: {  	_ =	swait.ge [sflag:s13], $0x1800  }
0x52: {  	[sflag:s13] =	ssyncset.done $0x0  }
0x53: {  	s24 =	rddreg [dreg:$0xf];
	[sflag:s13] =	ssyncadd.s32 $0xFFFFE800  }
0x54: {  	[hbm:s24@s14], [sflag:s29] =	dma.strided [spmem:s28@s8], $0x1800, s13, $0x10   }
0x55: {  	_ =	swait.ge [sflag:s11], $0x1800  }
0x56: {  	[sflag:s11] =	ssyncset.done $0x0  }
0x57: {  	s25 =	rddreg [dreg:$0x10];
	[sflag:s11] =	ssyncadd.s32 $0xFFFFE800  }
0x58: {  	[spmem:s16@s8], [sflag:s30] =	dma.strided [hbm:s25@s14], $0x1800, s13, $0x10   }
0x59: {  	_ =	swait.ge [sflag:s18], $0x1800  }
0x5a: {  	[sflag:s18] =	ssyncset.done $0x0  }
0x5b: {  	s24 =	rddreg [dreg:$0x11];
	[sflag:s18] =	ssyncadd.s32 $0xFFFFE800  }
0x5c: {  	[hbm:s24@s14], [sflag:s31] =	dma.strided [spmem:s16@s8], $0x1800, s13, $0x10   }
0x5d: {  	_ =	swait.ge [sflag:s15], $0x1800  }
0x5e: {  	[sflag:s15] =	ssyncset.done $0x0  }
0x5f: {  	s25 =	rddreg [dreg:$0x12];
	[sflag:s15] =	ssyncadd.s32 $0xFFFFE800  }
0x60: {  	[spmem:s28@s8], [sflag:s4] =	dma.strided [hbm:s25@s14], $0x1800, s13, $0x10   }
0x61: {  	_ =	swait.ge [sflag:s13], $0x1800  }
0x62: {  	[sflag:s13] =	ssyncset.done $0x0  }
0x63: {  	s24 =	rddreg [dreg:$0x13];
	[sflag:s13] =	ssyncadd.s32 $0xFFFFE800  }
0x64: {  	[hbm:s24@s14], [sflag:s29] =	dma.strided [spmem:s28@s8], $0x1800, s13, $0x10   }
0x65: {  	_ =	swait.ge [sflag:s11], $0x1800  }
0x66: {  	[sflag:s11] =	ssyncset.done $0x0  }
0x67: {  	s25 =	rddreg [dreg:$0x14];
	[sflag:s11] =	ssyncadd.s32 $0xFFFFE800  }
0x68: {  	[spmem:s16@s8], [sflag:s30] =	dma.strided [hbm:s25@s14], $0x1800, s13, $0x10   }
0x69: {  	_ =	swait.ge [sflag:s18], $0x1800  }
0x6a: {  	[sflag:s18] =	ssyncset.done $0x0  }
0x6b: {  	s24 =	rddreg [dreg:$0x15];
	[sflag:s18] =	ssyncadd.s32 $0xFFFFE800  }
0x6c: {  	[hbm:s24@s14], [sflag:s31] =	dma.strided [spmem:s16@s8], $0x1800, s13, $0x10   }
0x6d: {  	_ =	swait.ge [sflag:s15], $0x1800  }
0x6e: {  	[sflag:s15] =	ssyncset.done $0x0  }
0x6f: {  	s25 =	rddreg [dreg:$0x16];
	[sflag:s15] =	ssyncadd.s32 $0xFFFFE800  }
0x70: {  	[spmem:s28@s8], [sflag:s4] =	dma.strided [hbm:s25@s14], $0x1800, s13, $0x10   }
0x71: {  	_ =	swait.ge [sflag:s13], $0x1800  }
0x72: {  	[sflag:s13] =	ssyncset.done $0x0  }
0x73: {  	s24 =	rddreg [dreg:$0x17];
	[sflag:s13] =	ssyncadd.s32 $0xFFFFE800  }
0x74: {  	[hbm:s24@s14], [sflag:s29] =	dma.strided [spmem:s28@s8], $0x1800, s13, $0x10   }
0x75: {  	_ =	swait.ge [sflag:s11], $0x1800  }
0x76: {  	[sflag:s11] =	ssyncset.done $0x0  }
0x77: {  	s25 =	rddreg [dreg:$0x18];
	[sflag:s11] =	ssyncadd.s32 $0xFFFFE800  }
0x78: {  	[spmem:s16@s8], [sflag:s30] =	dma.strided [hbm:s25@s14], $0x1800, s13, $0x10   }
0x79: {  	_ =	swait.ge [sflag:s18], $0x1800  }
0x7a: {  	[sflag:s18] =	ssyncset.done $0x0  }
0x7b: {  	s24 =	rddreg [dreg:$0x19];
	[sflag:s18] =	ssyncadd.s32 $0xFFFFE800  }
0x7c: {  	[hbm:s24@s14], [sflag:s31] =	dma.strided [spmem:s16@s8], $0x1800, s13, $0x10   }
0x7d: {  	_ =	swait.ge [sflag:s15], $0x1800  }
0x7e: {  	[sflag:s15] =	ssyncset.done $0x0  }
0x7f: {  	s25 =	rddreg [dreg:$0x1a];
	[sflag:s15] =	ssyncadd.s32 $0xFFFFE800  }
0x80: {  	[spmem:s28@s8], [sflag:s4] =	dma.strided [hbm:s25@s14], $0x1800, s13, $0x10   }
0x81: {  	_ =	swait.ge [sflag:s13], $0x1800  }
0x82: {  	[sflag:s13] =	ssyncset.done $0x0  }
0x83: {  	s24 =	rddreg [dreg:$0x1b];
	[sflag:s13] =	ssyncadd.s32 $0xFFFFE800  }
0x84: {  	[hbm:s24@s14], [sflag:s29] =	dma.strided [spmem:s28@s8], $0x1800, s13, $0x10   }
0x85: {  	_ =	swait.ge [sflag:s11], $0x1800  }
0x86: {  	[sflag:s11] =	ssyncset.done $0x0  }
0x87: {  	s25 =	rddreg [dreg:$0x1c];
	[sflag:s11] =	ssyncadd.s32 $0xFFFFE800  }
0x88: {  	[spmem:s16@s8], [sflag:s30] =	dma.strided [hbm:s25@s14], $0x1800, s13, $0x10   }
0x89: {  	_ =	swait.ge [sflag:s18], $0x1800  }
0x8a: {  	[sflag:s18] =	ssyncset.done $0x0  }
0x8b: {  	[sflag:s18] =	ssyncadd.s32 $0xFFFFE800  }
0x8c: {  	[hbm:s23@s14], [sflag:s31] =	dma.strided [spmem:s16@s8], $0x1800, s13, $0x10   }
0x8d: {  	_ =	swait.ge [sflag:s15], $0x1800  }
0x8e: {  	[sflag:s15] =	ssyncset.done $0x0  }
0x8f: {  	[sflag:s15] =	ssyncadd.s32 $0xFFFFE800  }
0x90: {  	[spmem:s28@s8], [sflag:s4] =	dma.strided [hbm:s22@s14], $0x1800, s13, $0x10   }
0x91: {  	_ =	swait.ge [sflag:s13], $0x1800  }
0x92: {  	[sflag:s13] =	ssyncset.done $0x0  }
0x93: {  	[sflag:s13] =	ssyncadd.s32 $0xFFFFE800  }
0x94: {  	[hbm:s21@s14], [sflag:s29] =	dma.strided [spmem:s28@s8], $0x1800, s13, $0x10   }
0x95: {  	_ =	swait.ge [sflag:s11], $0x1800  }
0x96: {  	[sflag:s11] =	ssyncset.done $0x0  }
0x97: {  	[sflag:s11] =	ssyncadd.s32 $0xFFFFE800  }
0x98: {  	[spmem:s16@s8], [sflag:s30] =	dma.strided [hbm:s20@s14], $0x1800, s13, $0x10   }
0x99: {  	_ =	swait.ge [sflag:s18], $0x1800  }
0x9a: {  	[sflag:s18] =	ssyncset.done $0x0  }
0x9b: {  	[sflag:s18] =	ssyncadd.s32 $0xFFFFE800  }
0x9c: {  	[hbm:s19@s14], [sflag:s31] =	dma.strided [spmem:s16@s8], $0x1800, s13, $0x10   }
0x9d: {  	_ =	swait.ge [sflag:s15], $0x1800  }
0x9e: {  	[sflag:s15] =	ssyncset.done $0x0  }
0x9f: {  	[sflag:s15] =	ssyncadd.s32 $0xFFFFE800  }
0xa0: {  	[spmem:s28@s8], [sflag:s4] =	dma.strided [hbm:s17@s14], $0x1800, s13, $0x10   }
0xa1: {  	_ =	swait.ge [sflag:s13], $0x1800  }
0xa2: {  	[sflag:s13] =	ssyncset.done $0x0  }
0xa3: {  	[sflag:s13] =	ssyncadd.s32 $0xFFFFE800  }
0xa4: {  	[hbm:s12@s14], [sflag:s29] =	dma.strided [spmem:s28@s8], $0x1800, s13, $0x10   }
0xa5: {  	_ =	swait.ge [sflag:s11], $0x1800  }
0xa6: {  	[sflag:s11] =	ssyncset.done $0x0  }
0xa7: {  	[sflag:s11] =	ssyncadd.s32 $0xFFFFE800  }
0xa8: {  	[spmem:s16@s8], [sflag:s30] =	dma.strided [hbm:s10@s14], $0x1800, s13, $0x10   }
0xa9: {  	_ =	swait.ge [sflag:s18], $0x1800  }
0xaa: {  	[sflag:s18] =	ssyncset.done $0x0  }
0xab: {  	[sflag:s18] =	ssyncadd.s32 $0xFFFFE800  }
0xac: {  	[hbm:s7@s14], [sflag:s31] =	dma.strided [spmem:s16@s8], $0x1800, s13, $0x10   }
0xad: {  	_ =	swait.ge [sflag:s15], $0x1800  }
0xae: {  	[sflag:s15] =	ssyncset.done $0x0  }
0xaf: {  	[sflag:s15] =	ssyncadd.s32 $0xFFFFE800  }
0xb0: {  	_ =	swait.ge [sflag:s11], $0x1800  }
0xb1: {  	[sflag:s11] =	ssyncset.done $0x0  }
0xb2: {  	[sflag:s11] =	ssyncadd.s32 $0xFFFFE800  }
0xb3: {  	_ =	swait.ge [sflag:s9], $0x3500  }
0xb4: {  	[sflag:s9] =	ssyncset.done $0x0  }
0xb5: {  	[sflag:s9] =	ssyncadd.s32 $0xFFFFCB00  }
0xb6: {  	p1 =	sne.s32 s1, $0x1;
	_ =	swait.ge [sflag:s9], $0x3500  }
.Ltmp1:
0xb7: {  	[sflag:s9] =	ssyncset.done $0x0;
	(pc) =	sbr.rel @!p1 .LBB2_2-.Ltmp1, $4  }
0xb8: {  	[sflag:s9] =	ssyncadd.s32 $0xFFFFCB00  }
0xb9: {  	[hbm4b:s3+s5] =	stream.indirect.scatter [tilespmem:s5], [sflag:$0x6], $0x1, s2, s5, $0xb8;
	[tilespmem:$0x1EA00] =	vst v63  }
0xba: {  	s1 =	sadd.s32 $0xFFFFFFFF, s1;
	_ =	swait.ge [sflag:s6], $0x3500  }
0xbb: {  	p0 =	por $0x1, $0x1;
	s0 =	rddreg [dreg:$0x5];
	[sflag:s6] =	ssyncset.done $0x0  }
.LBB2_3:
0xbc: {  	s25 =	rddreg [dreg:$0x6];
	[sflag:s6] =	ssyncadd.s32 $0xFFFFCB00  }
0xbd: {  	[tilespmem:s2], [sflag:$0x5] =	stream.strided.gather [hbm4b:s0+s8], $0x3500, s26, s8, $0x38;
	[tilespmem:$0x1EA00] =	vst v63  }
0xbe: {  	s24 =	rddreg [dreg:$0x4]  }
0xbf: {  	[tilespmem:s5], [sflag:$0x5] =	stream.linear.gather [hbm4b:s24+s2], $0x3500, $0x38;
	[tilespmem:$0x1EA00] =	vst v63  }
0xc0: {  	[spmem:s28@s8], [sflag:s4] =	dma.strided [hbm:s25@s14], $0x1800, s13, $0x10   }
0xc1: {  	_ =	swait.ge [sflag:s13], $0x1800  }
0xc2: {  	[sflag:s13] =	ssyncset.done $0x0  }
0xc3: {  	s25 =	rddreg [dreg:$0x7];
	[sflag:s13] =	ssyncadd.s32 $0xFFFFE800  }
0xc4: {  	[hbm:s25@s14], [sflag:s29] =	dma.strided [spmem:s28@s8], $0x1800, s13, $0x10   }
0xc5: {  	s0 =	rddreg [dreg:$0x8]  }
0xc6: {  	[spmem:s16@s8], [sflag:s30] =	dma.strided [hbm:s0@s14], $0x1800, s13, $0x10   }
0xc7: {  	_ =	swait.ge [sflag:s18], $0x1800  }
0xc8: {  	[sflag:s18] =	ssyncset.done $0x0  }
0xc9: {  	s24 =	rddreg [dreg:$0x9];
	[sflag:s18] =	ssyncadd.s32 $0xFFFFE800  }
0xca: {  	[hbm:s24@s14], [sflag:s31] =	dma.strided [spmem:s16@s8], $0x1800, s13, $0x10   }
0xcb: {  	_ =	swait.ge [sflag:s15], $0x1800  }
0xcc: {  	[sflag:s15] =	ssyncset.done $0x0  }
0xcd: {  	s25 =	rddreg [dreg:$0xa];
	[sflag:s15] =	ssyncadd.s32 $0xFFFFE800  }
0xce: {  	[spmem:s28@s8], [sflag:s4] =	dma.strided [hbm:s25@s14], $0x1800, s13, $0x10   }
0xcf: {  	_ =	swait.ge [sflag:s13], $0x1800  }
0xd0: {  	[sflag:s13] =	ssyncset.done $0x0  }
0xd1: {  	s24 =	rddreg [dreg:$0xb];
	[sflag:s13] =	ssyncadd.s32 $0xFFFFE800  }
0xd2: {  	[hbm:s24@s14], [sflag:s29] =	dma.strided [spmem:s28@s8], $0x1800, s13, $0x10   }
0xd3: {  	_ =	swait.ge [sflag:s11], $0x1800  }
0xd4: {  	[sflag:s11] =	ssyncset.done $0x0  }
0xd5: {  	s25 =	rddreg [dreg:$0xc];
	[sflag:s11] =	ssyncadd.s32 $0xFFFFE800  }
0xd6: {  	[spmem:s16@s8], [sflag:s30] =	dma.strided [hbm:s25@s14], $0x1800, s13, $0x10   }
0xd7: {  	_ =	swait.ge [sflag:s18], $0x1800  }
0xd8: {  	[sflag:s18] =	ssyncset.done $0x0  }
0xd9: {  	s24 =	rddreg [dreg:$0xd];
	[sflag:s18] =	ssyncadd.s32 $0xFFFFE800  }
0xda: {  	[hbm:s24@s14], [sflag:s31] =	dma.strided [spmem:s16@s8], $0x1800, s13, $0x10   }
0xdb: {  	_ =	swait.ge [sflag:s15], $0x1800  }
0xdc: {  	[sflag:s15] =	ssyncset.done $0x0  }
0xdd: {  	s25 =	rddreg [dreg:$0xe];
	[sflag:s15] =	ssyncadd.s32 $0xFFFFE800  }
0xde: {  	[spmem:s28@s8], [sflag:s4] =	dma.strided [hbm:s25@s14], $0x1800, s13, $0x10   }
0xdf: {  	_ =	swait.ge [sflag:s13], $0x1800  }
0xe0: {  	[sflag:s13] =	ssyncset.done $0x0  }
0xe1: {  	s24 =	rddreg [dreg:$0xf];
	[sflag:s13] =	ssyncadd.s32 $0xFFFFE800  }
0xe2: {  	[hbm:s24@s14], [sflag:s29] =	dma.strided [spmem:s28@s8], $0x1800, s13, $0x10   }
0xe3: {  	_ =	swait.ge [sflag:s11], $0x1800  }
0xe4: {  	[sflag:s11] =	ssyncset.done $0x0  }
0xe5: {  	s25 =	rddreg [dreg:$0x10];
	[sflag:s11] =	ssyncadd.s32 $0xFFFFE800  }
0xe6: {  	[spmem:s16@s8], [sflag:s30] =	dma.strided [hbm:s25@s14], $0x1800, s13, $0x10   }
0xe7: {  	_ =	swait.ge [sflag:s18], $0x1800  }
0xe8: {  	[sflag:s18] =	ssyncset.done $0x0  }
0xe9: {  	s24 =	rddreg [dreg:$0x11];
	[sflag:s18] =	ssyncadd.s32 $0xFFFFE800  }
0xea: {  	[hbm:s24@s14], [sflag:s31] =	dma.strided [spmem:s16@s8], $0x1800, s13, $0x10   }
0xeb: {  	_ =	swait.ge [sflag:s15], $0x1800  }
0xec: {  	[sflag:s15] =	ssyncset.done $0x0  }
0xed: {  	s25 =	rddreg [dreg:$0x12];
	[sflag:s15] =	ssyncadd.s32 $0xFFFFE800  }
0xee: {  	[spmem:s28@s8], [sflag:s4] =	dma.strided [hbm:s25@s14], $0x1800, s13, $0x10   }
0xef: {  	_ =	swait.ge [sflag:s13], $0x1800  }
0xf0: {  	[sflag:s13] =	ssyncset.done $0x0  }
0xf1: {  	s24 =	rddreg [dreg:$0x13];
	[sflag:s13] =	ssyncadd.s32 $0xFFFFE800  }
0xf2: {  	[hbm:s24@s14], [sflag:s29] =	dma.strided [spmem:s28@s8], $0x1800, s13, $0x10   }
0xf3: {  	_ =	swait.ge [sflag:s11], $0x1800  }
0xf4: {  	[sflag:s11] =	ssyncset.done $0x0  }
0xf5: {  	s25 =	rddreg [dreg:$0x14];
	[sflag:s11] =	ssyncadd.s32 $0xFFFFE800  }
0xf6: {  	[spmem:s16@s8], [sflag:s30] =	dma.strided [hbm:s25@s14], $0x1800, s13, $0x10   }
0xf7: {  	_ =	swait.ge [sflag:s18], $0x1800  }
0xf8: {  	[sflag:s18] =	ssyncset.done $0x0  }
0xf9: {  	s24 =	rddreg [dreg:$0x15];
	[sflag:s18] =	ssyncadd.s32 $0xFFFFE800  }
0xfa: {  	[hbm:s24@s14], [sflag:s31] =	dma.strided [spmem:s16@s8], $0x1800, s13, $0x10   }
0xfb: {  	_ =	swait.ge [sflag:s15], $0x1800  }
0xfc: {  	[sflag:s15] =	ssyncset.done $0x0  }
0xfd: {  	s25 =	rddreg [dreg:$0x16];
	[sflag:s15] =	ssyncadd.s32 $0xFFFFE800  }
0xfe: {  	[spmem:s28@s8], [sflag:s4] =	dma.strided [hbm:s25@s14], $0x1800, s13, $0x10   }
0xff: {  	_ =	swait.ge [sflag:s13], $0x1800  }
0x100: {  	[sflag:s13] =	ssyncset.done $0x0  }
0x101: {  	s24 =	rddreg [dreg:$0x17];
	[sflag:s13] =	ssyncadd.s32 $0xFFFFE800  }
0x102: {  	[hbm:s24@s14], [sflag:s29] =	dma.strided [spmem:s28@s8], $0x1800, s13, $0x10   }
0x103: {  	_ =	swait.ge [sflag:s11], $0x1800  }
0x104: {  	[sflag:s11] =	ssyncset.done $0x0  }
0x105: {  	s25 =	rddreg [dreg:$0x18];
	[sflag:s11] =	ssyncadd.s32 $0xFFFFE800  }
0x106: {  	[spmem:s16@s8], [sflag:s30] =	dma.strided [hbm:s25@s14], $0x1800, s13, $0x10   }
0x107: {  	_ =	swait.ge [sflag:s18], $0x1800  }
0x108: {  	[sflag:s18] =	ssyncset.done $0x0  }
0x109: {  	s24 =	rddreg [dreg:$0x19];
	[sflag:s18] =	ssyncadd.s32 $0xFFFFE800  }
0x10a: {  	[hbm:s24@s14], [sflag:s31] =	dma.strided [spmem:s16@s8], $0x1800, s13, $0x10   }
0x10b: {  	_ =	swait.ge [sflag:s15], $0x1800  }
0x10c: {  	[sflag:s15] =	ssyncset.done $0x0  }
0x10d: {  	s25 =	rddreg [dreg:$0x1a];
	[sflag:s15] =	ssyncadd.s32 $0xFFFFE800  }
0x10e: {  	[spmem:s28@s8], [sflag:s4] =	dma.strided [hbm:s25@s14], $0x1800, s13, $0x10   }
0x10f: {  	_ =	swait.ge [sflag:s13], $0x1800  }
0x110: {  	[sflag:s13] =	ssyncset.done $0x0  }
0x111: {  	s24 =	rddreg [dreg:$0x1b];
	[sflag:s13] =	ssyncadd.s32 $0xFFFFE800  }
0x112: {  	[hbm:s24@s14], [sflag:s29] =	dma.strided [spmem:s28@s8], $0x1800, s13, $0x10   }
0x113: {  	_ =	swait.ge [sflag:s11], $0x1800  }
0x114: {  	[sflag:s11] =	ssyncset.done $0x0  }
0x115: {  	s25 =	rddreg [dreg:$0x1c];
	[sflag:s11] =	ssyncadd.s32 $0xFFFFE800  }
0x116: {  	[spmem:s16@s8], [sflag:s30] =	dma.strided [hbm:s25@s14], $0x1800, s13, $0x10   }
0x117: {  	_ =	swait.ge [sflag:s18], $0x1800  }
0x118: {  	[sflag:s18] =	ssyncset.done $0x0  }
0x119: {  	[sflag:s18] =	ssyncadd.s32 $0xFFFFE800  }
0x11a: {  	[hbm:s23@s14], [sflag:s31] =	dma.strided [spmem:s16@s8], $0x1800, s13, $0x10   }
0x11b: {  	_ =	swait.ge [sflag:s15], $0x1800  }
0x11c: {  	[sflag:s15] =	ssyncset.done $0x0  }
0x11d: {  	[sflag:s15] =	ssyncadd.s32 $0xFFFFE800  }
0x11e: {  	[spmem:s28@s8], [sflag:s4] =	dma.strided [hbm:s22@s14], $0x1800, s13, $0x10   }
0x11f: {  	_ =	swait.ge [sflag:s13], $0x1800  }
0x120: {  	[sflag:s13] =	ssyncset.done $0x0  }
0x121: {  	[sflag:s13] =	ssyncadd.s32 $0xFFFFE800  }
0x122: {  	[hbm:s21@s14], [sflag:s29] =	dma.strided [spmem:s28@s8], $0x1800, s13, $0x10   }
0x123: {  	_ =	swait.ge [sflag:s11], $0x1800  }
0x124: {  	[sflag:s11] =	ssyncset.done $0x0  }
0x125: {  	[sflag:s11] =	ssyncadd.s32 $0xFFFFE800  }
0x126: {  	[spmem:s16@s8], [sflag:s30] =	dma.strided [hbm:s20@s14], $0x1800, s13, $0x10   }
0x127: {  	_ =	swait.ge [sflag:s18], $0x1800  }
0x128: {  	[sflag:s18] =	ssyncset.done $0x0  }
0x129: {  	[sflag:s18] =	ssyncadd.s32 $0xFFFFE800  }
0x12a: {  	[hbm:s19@s14], [sflag:s31] =	dma.strided [spmem:s16@s8], $0x1800, s13, $0x10   }
0x12b: {  	_ =	swait.ge [sflag:s15], $0x1800  }
0x12c: {  	[sflag:s15] =	ssyncset.done $0x0  }
0x12d: {  	[sflag:s15] =	ssyncadd.s32 $0xFFFFE800  }
0x12e: {  	[spmem:s28@s8], [sflag:s4] =	dma.strided [hbm:s17@s14], $0x1800, s13, $0x10   }
0x12f: {  	_ =	swait.ge [sflag:s13], $0x1800  }
0x130: {  	[sflag:s13] =	ssyncset.done $0x0  }
0x131: {  	[sflag:s13] =	ssyncadd.s32 $0xFFFFE800  }
0x132: {  	[hbm:s12@s14], [sflag:s29] =	dma.strided [spmem:s28@s8], $0x1800, s13, $0x10   }
0x133: {  	_ =	swait.ge [sflag:s11], $0x1800  }
0x134: {  	[sflag:s11] =	ssyncset.done $0x0  }
0x135: {  	[sflag:s11] =	ssyncadd.s32 $0xFFFFE800  }
0x136: {  	[spmem:s16@s8], [sflag:s30] =	dma.strided [hbm:s10@s14], $0x1800, s13, $0x10   }
0x137: {  	_ =	swait.ge [sflag:s18], $0x1800  }
0x138: {  	[sflag:s18] =	ssyncset.done $0x0  }
0x139: {  	[sflag:s18] =	ssyncadd.s32 $0xFFFFE800  }
0x13a: {  	[hbm:s7@s14], [sflag:s31] =	dma.strided [spmem:s16@s8], $0x1800, s13, $0x10   }
0x13b: {  	_ =	swait.ge [sflag:s15], $0x1800  }
0x13c: {  	[sflag:s15] =	ssyncset.done $0x0  }
0x13d: {  	[sflag:s15] =	ssyncadd.s32 $0xFFFFE800  }
0x13e: {  	_ =	swait.ge [sflag:s11], $0x1800  }
0x13f: {  	[sflag:s11] =	ssyncset.done $0x0  }
0x140: {  	[sflag:s11] =	ssyncadd.s32 $0xFFFFE800  }
0x141: {  	_ =	swait.ge [sflag:s9], $0x3500  }
0x142: {  	[sflag:s9] =	ssyncset.done $0x0  }
0x143: {  	[sflag:s9] =	ssyncadd.s32 $0xFFFFCB00  }
0x144: {  	p1 =	sne.s32 s1, $0x1;
	_ =	swait.ge [sflag:s9], $0x3500  }
.Ltmp2:
0x145: {  	[sflag:s9] =	ssyncset.done $0x0;
	(pc) =	sbr.rel @p1 .LBB2_3-.Ltmp2, $4  }
0x146: {  	[sflag:s9] =	ssyncadd.s32 $0xFFFFCB00  }
0x147: {  	[hbm4b:s3+s5] =	stream.indirect.scatter [tilespmem:s5], [sflag:$0x6], $0x1, s2, s5, $0xb8;
	[tilespmem:$0x1EA00] =	vst v63  }
0x148: {  	_ =	swait.ge [sflag:s6], $0x3500  }
0x149: {  	s1 =	sadd.s32 $0xFFFFFFFF, s1;
	s0 =	rddreg [dreg:$0x5];
	[sflag:s6] =	ssyncset.done $0x0  }
0x14a: {  	s29 =	rddreg [dreg:$0x3]  }
0x14b: {  	s24 =	rddreg [dreg:$0x1d]  }
0x14c: {  	s28 =	stileid.u32;
	s25 =	rddreg [dreg:$0x1e]  }
.LBB2_5:
0x14d: {  	[sflag:s6] =	ssyncadd.s32 @p0 $0xFFFFCB00  }
0x14e: {  	[tilespmem:s2], [sflag:$0x5] =	stream.strided.gather [hbm4b:s0+s8], $0x3500, s26, s8, $0x38;
	[tilespmem:$0x1EA00] =	vst v63  }
0x14f: {  	s1 =	rddreg [dreg:$0x4]  }
0x150: {  	[tilespmem:s5], [sflag:$0x5] =	stream.linear.gather [hbm4b:s1+s2], $0x3500, $0x38;
	[tilespmem:$0x1EA00] =	vst v63  }
0x151: {  	s31 =	rddreg [dreg:$0x6];
	s1 =	sshrl.u32 s25, $0x3  }
0x152: {  	[spmem:s1@s8], [sflag:s4] =	dma.strided [hbm:s31@s14], $0x1800, s13, $0x10   }
0x153: {  	_ =	swait.ge [sflag:s13], $0x1800  }
0x154: {  	[sflag:s13] =	ssyncset.done $0x0  }
0x155: {  	s26 =	sor.u32 $0x1C03, s24;
	s25 =	rddreg [dreg:$0x7];
	[sflag:s13] =	ssyncadd.s32 $0xFFFFE800  }
0x156: {  	[hbm:s25@s14], [sflag:s26] =	dma.strided [spmem:s1@s8], $0x1800, s13, $0x10   }
0x157: {  	s25 =	sor.u32 $0x1C02, s24;
	s0 =	rddreg [dreg:$0x8]  }
0x158: {  	[spmem:s16@s8], [sflag:s25] =	dma.strided [hbm:s0@s14], $0x1800, s13, $0x10   }
0x159: {  	_ =	swait.ge [sflag:s18], $0x1800  }
0x15a: {  	[sflag:s18] =	ssyncset.done $0x0  }
0x15b: {  	s24 =	sor.u32 $0x1C04, s24;
	s30 =	rddreg [dreg:$0x9];
	[sflag:s18] =	ssyncadd.s32 $0xFFFFE800  }
0x15c: {  	[hbm:s30@s14], [sflag:s24] =	dma.strided [spmem:s16@s8], $0x1800, s13, $0x10   }
0x15d: {  	_ =	swait.ge [sflag:s15], $0x1800  }
0x15e: {  	[sflag:s15] =	ssyncset.done $0x0  }
0x15f: {  	s31 =	rddreg [dreg:$0xa];
	[sflag:s15] =	ssyncadd.s32 $0xFFFFE800  }
0x160: {  	[spmem:s1@s8], [sflag:s4] =	dma.strided [hbm:s31@s14], $0x1800, s13, $0x10   }
0x161: {  	_ =	swait.ge [sflag:s13], $0x1800  }
0x162: {  	[sflag:s13] =	ssyncset.done $0x0  }
0x163: {  	s30 =	rddreg [dreg:$0xb];
	[sflag:s13] =	ssyncadd.s32 $0xFFFFE800  }
0x164: {  	[hbm:s30@s14], [sflag:s26] =	dma.strided [spmem:s1@s8], $0x1800, s13, $0x10   }
0x165: {  	_ =	swait.ge [sflag:s11], $0x1800  }
0x166: {  	[sflag:s11] =	ssyncset.done $0x0  }
0x167: {  	s31 =	rddreg [dreg:$0xc];
	[sflag:s11] =	ssyncadd.s32 $0xFFFFE800  }
0x168: {  	[spmem:s16@s8], [sflag:s25] =	dma.strided [hbm:s31@s14], $0x1800, s13, $0x10   }
0x169: {  	_ =	swait.ge [sflag:s18], $0x1800  }
0x16a: {  	[sflag:s18] =	ssyncset.done $0x0  }
0x16b: {  	s30 =	rddreg [dreg:$0xd];
	[sflag:s18] =	ssyncadd.s32 $0xFFFFE800  }
0x16c: {  	[hbm:s30@s14], [sflag:s24] =	dma.strided [spmem:s16@s8], $0x1800, s13, $0x10   }
0x16d: {  	_ =	swait.ge [sflag:s15], $0x1800  }
0x16e: {  	[sflag:s15] =	ssyncset.done $0x0  }
0x16f: {  	s31 =	rddreg [dreg:$0xe];
	[sflag:s15] =	ssyncadd.s32 $0xFFFFE800  }
0x170: {  	[spmem:s1@s8], [sflag:s4] =	dma.strided [hbm:s31@s14], $0x1800, s13, $0x10   }
0x171: {  	_ =	swait.ge [sflag:s13], $0x1800  }
0x172: {  	[sflag:s13] =	ssyncset.done $0x0  }
0x173: {  	s30 =	rddreg [dreg:$0xf];
	[sflag:s13] =	ssyncadd.s32 $0xFFFFE800  }
0x174: {  	[hbm:s30@s14], [sflag:s26] =	dma.strided [spmem:s1@s8], $0x1800, s13, $0x10   }
0x175: {  	_ =	swait.ge [sflag:s11], $0x1800  }
0x176: {  	[sflag:s11] =	ssyncset.done $0x0  }
0x177: {  	s31 =	rddreg [dreg:$0x10];
	[sflag:s11] =	ssyncadd.s32 $0xFFFFE800  }
0x178: {  	[spmem:s16@s8], [sflag:s25] =	dma.strided [hbm:s31@s14], $0x1800, s13, $0x10   }
0x179: {  	_ =	swait.ge [sflag:s18], $0x1800  }
0x17a: {  	[sflag:s18] =	ssyncset.done $0x0  }
0x17b: {  	s30 =	rddreg [dreg:$0x11];
	[sflag:s18] =	ssyncadd.s32 $0xFFFFE800  }
0x17c: {  	[hbm:s30@s14], [sflag:s24] =	dma.strided [spmem:s16@s8], $0x1800, s13, $0x10   }
0x17d: {  	_ =	swait.ge [sflag:s15], $0x1800  }
0x17e: {  	[sflag:s15] =	ssyncset.done $0x0  }
0x17f: {  	s31 =	rddreg [dreg:$0x12];
	[sflag:s15] =	ssyncadd.s32 $0xFFFFE800  }
0x180: {  	[spmem:s1@s8], [sflag:s4] =	dma.strided [hbm:s31@s14], $0x1800, s13, $0x10   }
0x181: {  	_ =	swait.ge [sflag:s13], $0x1800  }
0x182: {  	[sflag:s13] =	ssyncset.done $0x0  }
0x183: {  	s30 =	rddreg [dreg:$0x13];
	[sflag:s13] =	ssyncadd.s32 $0xFFFFE800  }
0x184: {  	[hbm:s30@s14], [sflag:s26] =	dma.strided [spmem:s1@s8], $0x1800, s13, $0x10   }
0x185: {  	_ =	swait.ge [sflag:s11], $0x1800  }
0x186: {  	[sflag:s11] =	ssyncset.done $0x0  }
0x187: {  	s31 =	rddreg [dreg:$0x14];
	[sflag:s11] =	ssyncadd.s32 $0xFFFFE800  }
0x188: {  	[spmem:s16@s8], [sflag:s25] =	dma.strided [hbm:s31@s14], $0x1800, s13, $0x10   }
0x189: {  	_ =	swait.ge [sflag:s18], $0x1800  }
0x18a: {  	[sflag:s18] =	ssyncset.done $0x0  }
0x18b: {  	s30 =	rddreg [dreg:$0x15];
	[sflag:s18] =	ssyncadd.s32 $0xFFFFE800  }
0x18c: {  	[hbm:s30@s14], [sflag:s24] =	dma.strided [spmem:s16@s8], $0x1800, s13, $0x10   }
0x18d: {  	_ =	swait.ge [sflag:s15], $0x1800  }
0x18e: {  	[sflag:s15] =	ssyncset.done $0x0  }
0x18f: {  	s31 =	rddreg [dreg:$0x16];
	[sflag:s15] =	ssyncadd.s32 $0xFFFFE800  }
0x190: {  	[spmem:s1@s8], [sflag:s4] =	dma.strided [hbm:s31@s14], $0x1800, s13, $0x10   }
0x191: {  	_ =	swait.ge [sflag:s13], $0x1800  }
0x192: {  	[sflag:s13] =	ssyncset.done $0x0  }
0x193: {  	s30 =	rddreg [dreg:$0x17];
	[sflag:s13] =	ssyncadd.s32 $0xFFFFE800  }
0x194: {  	[hbm:s30@s14], [sflag:s26] =	dma.strided [spmem:s1@s8], $0x1800, s13, $0x10   }
0x195: {  	_ =	swait.ge [sflag:s11], $0x1800  }
0x196: {  	[sflag:s11] =	ssyncset.done $0x0  }
0x197: {  	s31 =	rddreg [dreg:$0x18];
	[sflag:s11] =	ssyncadd.s32 $0xFFFFE800  }
0x198: {  	[spmem:s16@s8], [sflag:s25] =	dma.strided [hbm:s31@s14], $0x1800, s13, $0x10   }
0x199: {  	_ =	swait.ge [sflag:s18], $0x1800  }
0x19a: {  	[sflag:s18] =	ssyncset.done $0x0  }
0x19b: {  	s30 =	rddreg [dreg:$0x19];
	[sflag:s18] =	ssyncadd.s32 $0xFFFFE800  }
0x19c: {  	[hbm:s30@s14], [sflag:s24] =	dma.strided [spmem:s16@s8], $0x1800, s13, $0x10   }
0x19d: {  	_ =	swait.ge [sflag:s15], $0x1800  }
0x19e: {  	[sflag:s15] =	ssyncset.done $0x0  }
0x19f: {  	s31 =	rddreg [dreg:$0x1a];
	[sflag:s15] =	ssyncadd.s32 $0xFFFFE800  }
0x1a0: {  	[spmem:s1@s8], [sflag:s4] =	dma.strided [hbm:s31@s14], $0x1800, s13, $0x10   }
0x1a1: {  	_ =	swait.ge [sflag:s13], $0x1800  }
0x1a2: {  	[sflag:s13] =	ssyncset.done $0x0  }
0x1a3: {  	s30 =	rddreg [dreg:$0x1b];
	[sflag:s13] =	ssyncadd.s32 $0xFFFFE800  }
0x1a4: {  	[hbm:s30@s14], [sflag:s26] =	dma.strided [spmem:s1@s8], $0x1800, s13, $0x10   }
0x1a5: {  	_ =	swait.ge [sflag:s11], $0x1800  }
0x1a6: {  	[sflag:s11] =	ssyncset.done $0x0  }
0x1a7: {  	s31 =	rddreg [dreg:$0x1c];
	[sflag:s11] =	ssyncadd.s32 $0xFFFFE800  }
0x1a8: {  	[spmem:s16@s8], [sflag:s25] =	dma.strided [hbm:s31@s14], $0x1800, s13, $0x10   }
0x1a9: {  	_ =	swait.ge [sflag:s18], $0x1800  }
0x1aa: {  	[sflag:s18] =	ssyncset.done $0x0  }
0x1ab: {  	[sflag:s18] =	ssyncadd.s32 $0xFFFFE800  }
0x1ac: {  	[hbm:s23@s14], [sflag:s24] =	dma.strided [spmem:s16@s8], $0x1800, s13, $0x10   }
0x1ad: {  	_ =	swait.ge [sflag:s15], $0x1800  }
0x1ae: {  	[sflag:s15] =	ssyncset.done $0x0  }
0x1af: {  	[sflag:s15] =	ssyncadd.s32 $0xFFFFE800  }
0x1b0: {  	[spmem:s1@s8], [sflag:s4] =	dma.strided [hbm:s22@s14], $0x1800, s13, $0x10   }
0x1b1: {  	_ =	swait.ge [sflag:s13], $0x1800  }
0x1b2: {  	[sflag:s13] =	ssyncset.done $0x0  }
0x1b3: {  	[sflag:s13] =	ssyncadd.s32 $0xFFFFE800  }
0x1b4: {  	[hbm:s21@s14], [sflag:s26] =	dma.strided [spmem:s1@s8], $0x1800, s13, $0x10   }
0x1b5: {  	_ =	swait.ge [sflag:s11], $0x1800  }
0x1b6: {  	[sflag:s11] =	ssyncset.done $0x0  }
0x1b7: {  	[sflag:s11] =	ssyncadd.s32 $0xFFFFE800  }
0x1b8: {  	[spmem:s16@s8], [sflag:s25] =	dma.strided [hbm:s20@s14], $0x1800, s13, $0x10   }
0x1b9: {  	_ =	swait.ge [sflag:s18], $0x1800  }
0x1ba: {  	[sflag:s18] =	ssyncset.done $0x0  }
0x1bb: {  	[sflag:s18] =	ssyncadd.s32 $0xFFFFE800  }
0x1bc: {  	[hbm:s19@s14], [sflag:s24] =	dma.strided [spmem:s16@s8], $0x1800, s13, $0x10   }
0x1bd: {  	_ =	swait.ge [sflag:s15], $0x1800  }
0x1be: {  	[sflag:s15] =	ssyncset.done $0x0  }
0x1bf: {  	[sflag:s15] =	ssyncadd.s32 $0xFFFFE800  }
0x1c0: {  	[spmem:s1@s8], [sflag:s4] =	dma.strided [hbm:s17@s14], $0x1800, s13, $0x10   }
0x1c1: {  	_ =	swait.ge [sflag:s13], $0x1800  }
0x1c2: {  	[sflag:s13] =	ssyncset.done $0x0  }
0x1c3: {  	[sflag:s13] =	ssyncadd.s32 $0xFFFFE800  }
0x1c4: {  	[hbm:s12@s14], [sflag:s26] =	dma.strided [spmem:s1@s8], $0x1800, s13, $0x10   }
0x1c5: {  	_ =	swait.ge [sflag:s11], $0x1800  }
0x1c6: {  	[sflag:s11] =	ssyncset.done $0x0  }
0x1c7: {  	[sflag:s11] =	ssyncadd.s32 $0xFFFFE800  }
0x1c8: {  	[spmem:s16@s8], [sflag:s25] =	dma.strided [hbm:s10@s14], $0x1800, s13, $0x10   }
0x1c9: {  	_ =	swait.ge [sflag:s18], $0x1800  }
0x1ca: {  	[sflag:s18] =	ssyncset.done $0x0  }
0x1cb: {  	[sflag:s18] =	ssyncadd.s32 $0xFFFFE800  }
0x1cc: {  	[hbm:s7@s14], [sflag:s24] =	dma.strided [spmem:s16@s8], $0x1800, s13, $0x10   }
0x1cd: {  	_ =	swait.ge [sflag:s15], $0x1800  }
0x1ce: {  	[sflag:s15] =	ssyncset.done $0x0  }
0x1cf: {  	[sflag:s15] =	ssyncadd.s32 $0xFFFFE800  }
0x1d0: {  	_ =	swait.ge [sflag:s11], $0x1800  }
0x1d1: {  	[sflag:s11] =	ssyncset.done $0x0  }
0x1d2: {  	[sflag:s11] =	ssyncadd.s32 $0xFFFFE800  }
0x1d3: {  	_ =	swait.ge [sflag:s9], $0x3500  }
0x1d4: {  	[sflag:s9] =	ssyncset.done $0x0  }
0x1d5: {  	[sflag:s9] =	ssyncadd.s32 $0xFFFFCB00  }
0x1d6: {  	_ =	swait.ge [sflag:s9], $0x3500  }
0x1d7: {  	[sflag:s9] =	ssyncset.done $0x0  }
0x1d8: {  	[sflag:s9] =	ssyncadd.s32 $0xFFFFCB00  }
0x1d9: {  	[hbm4b:s3+s5] =	stream.indirect.scatter [tilespmem:s5], [sflag:$0x6], $0x1, s2, s5, $0xb8;
	[tilespmem:$0x1EA00] =	vst v63  }
0x1da: {  	_ =	swait.ge [sflag:s6], $0x3500  }
0x1db: {  	[sflag:s6] =	ssyncset.done $0x0  }
0x1dc: {  	[sflag:s6] =	ssyncadd.s32 $0xFFFFCB00  }
0x1dd: {  	_ =	sfence.sel $0x180000  }
0x1de: {  	[bflag:$0x0] =	sbarrier.arrive $0xFFFF  }
0x1df: {  	p0 =	sne.s32 s28, $0x0;
	_ =	strace $0x9000004A  }
0x1e0: {  	s0 =	sadd.s32 @!p0 $0x100000, s29;
	[bflag:$0x2] =	sbarrier.arrive $0xFFFF  }
0x1e1: {  	[sflag:s0] =	ssyncadd.tile.s32 @!p0 $0x1;
	_ =	shalt  }
.LBB2_2:
.Ltmp3:
0x1e2: {  	(pc) =	sbr.rel .LBB2_5-.Ltmp3, $4  }
0x1e3: {  	_ = 	snop  }
0x1e4: {  	s29 =	rddreg [dreg:$0x3]  }
0x1e5: {  	s24 =	rddreg [dreg:$0x1d]  }
0x1e6: {  	s28 =	stileid.u32;
	s25 =	rddreg [dreg:$0x1e]  }
.Lfunc_end2:
_tile_overlayer_lowered:
.L_overlay_start_2:
0x1e7: {  	(tag) =	ssettag $0x2  }
0x1e8: {  	s0 =	rddreg [dreg:$0x0];
	s2 =	stileid.u32  }
0x1e9: {  	s1 =	rddreg [dreg:$0x1];
	p0 =	sne.s32 s2, $0x0  }
0x1ea: {  	s3 =	rddreg [dreg:$0x2];
	[bflag:$0x3] =	sbarrier.arrive $0xFFFF;
	s2 =	simm.s32 @!p0 $0x1C07  }
0x1eb: {  	[timem:s3], [sflag:s2] =	dma.local @!p0 [hbm:s0], s1  }
0x1ec: {  	s0 =	simm.s32 @!p0 $0x7  }
0x1ed: {  	_ =	swait.ge @!p0 [sflag:s0], s1  }
0x1ee: {  	s1 =	ssub.s32 @!p0 $0x0, s1;
	[sflag:s0] =	ssyncset.done @!p0 $0x0  }
0x1ef: {  	[sflag:s0] =	ssyncadd.s32 @!p0 s1  }
0x1f0: {  	[bflag:$0x3] =	sbarrier.arrive $0xFFFF  }
0x1f1: {  	_ =	shalt  }

// kernel: sparse-core-data-format-call.cloned.1.call-start
scs
called_computation_lowered:
.L_overlay_start_0:
0x0: {  	s2 =	sld [smem:$0x3FD9]  }
0x1: {  	s3 =	sld [smem:$0x3FFE];
	_ =	sdelay $0x1  }
0x2: {  	s1 =	srdreg.scid  }
0x3: {  	s0 =	sand.u32 $0x1, s1  }
0x4: {  	s19 =	sshll.u32 s0, $0xA;
	s2 =	sadd.s32 s3, s2  }
0x5: {  	s2 =	sadd.s32 s2, s19  }
0x6: {  	[smem:$0x3FC7] =	sst s2  }
0x7: {  	_ = 	snop  }
0x8: {  	s2 =	sld [smem:$0x3FC9]  }
0x9: {  	s20 =	sld [smem:$0x3FD0];
	(tm) =	ssettm $0x1  }
0xa: {  	s4 =	sld [smem:$0x3FFB];
	_ =	sdelay $0x3  }
0xb: {  	_ =	strace s4  }
0xc: {  	s4 =	sld [smem:$0x3FFC];
	_ =	sdelay $0x3  }
0xd: {  	_ =	strace s4  }
0xe: {  	s4 =	sld [smem:$0x3FFD];
	_ =	sdelay $0x3  }
0xf: {  	_ =	strace s4  }
0x10: {  	_ =	strace $0x8FFFFFFF  }
0x11: {  	s21 =	sld [smem:$0x3FDB];
	_ =	sdelay $0x1  }
0x12: {  	s5 =	simm.s32 $_scs_section_size  }
0x13: {  	s6 =	simm.s32 $_size__tile_overlayer_lowered;
	s7 =	simm.s32 $_tile_overlayer_lowered  }
0x14: {  	s24 =	simm.s32 $0x1BFF;
	s23 =	sshll.u32 s7, $0x1;
	s4 =	sadd.s32 s5, s21  }
0x15: {  	s8 =	simm.s32 $0x0;
	s22 =	sshll.u32 s6, $0x1;
	s6 =	sadd.s32 s23, s4  }
0x16: {  	[timem:s8], [sflag:s24] =	dma.local [hbm:s6], s22  }
0x17: {  	_ =	swait.ge [sflag:s24], s22  }
0x18: {  	s5 =	ssub.s32 $0x0, s22;
	[sflag:s24] =	ssyncset.done $0x0  }
0x19: {  	[sflag:s24] =	ssyncadd.s32 s5;
	_ =	sdelay $0x1  }
0x1a: {  	s25 =	simm.s32 $0x1B8B  }
0x1b: {  	_ =	swait.ge [sflag:s25], $0x1  }
0x1c: {  	[sflag:s25] =	ssyncset.done $0x0  }
0x1d: {  	s26 =	simm.s32 $0x1B8E;
	[sflag:s25] =	ssyncadd.s32 $0xFFFFFFFF  }
0x1e: {  	s27 =	simm.s32 $execute0_lowered;
	[smem:$0x3FD2] =	sst s26  }
0x1f: {  	s5 =	sshll.u32 s27, $0x1;
	_ =	strace $0x80000046;
	[dreg:$0x1] =	wrdreg $0xFFFFFFFF  }
0x20: {  	s28 =	simm.s32 $_size_execute0_lowered;
	s4 =	sadd.s32 s4, s5;
	[dreg:$0x0] =	wrdreg $0x0  }
0x21: {  	s5 =	sshll.u32 s28, $0x1;
	[dreg:$0x2] =	wrdreg s4  }
0x22: {  	[dreg:$0x3] =	wrdreg s5  }
0x23: {  	[dreg:$0x4] =	wrdreg $0xC0  }
0x24: {  	_ =	task [dreg:s8], $0x5FFFF  }
0x25: {  	[dreg:$0x1] =	wrdreg $0xFFFFFFFF  }
0x26: {  	[dreg:$0x0] =	wrdreg $0x60  }
0x27: {  	[dreg:$0x2] =	wrdreg s2  }
0x28: {  	[dreg:$0x3] =	wrdreg s20  }
0x29: {  	[dreg:$0x4] =	wrdreg $0x9  }
0x2a: {  	_ =	task.clear_ibuf [dreg:s8], $0x5FFFF;
	_ =	strace $0x90000046  }
0x2b: {  	s29 =	simm.s32 $0x9;
	_ =	strace $0x80000048  }
0x2c: {  	_ =	swait.ge [sflag:s29], $0x1  }
0x2d: {  	[sflag:s29] =	ssyncadd.s32 $0xFFFFFFFF  }
0x2e: {  	_ =	strace $0x90000048  }
0x2f: {  	_ =	sfence  }
0x30: {  	s30 =	sld [smem:$0x0];
	_ =	sdelay $0x2  }
0x31: {  	s31 =	sshll.u32 s1, $0xD;
	s1 =	sshrl.u32 s1, $0x2  }
0x32: {  	s3 =	sand.u32 $0x4000, s31;
	s1 =	sadd.s32 s1, s30  }
0x33: {  	s0 =	sor.u32 s3, s0;
	s1 =	sshll.u32 s1, $0x11  }
0x34: {  	s0 =	sor.u32 s1, s0  }
0x35: {  	s0 =	sadd.s32 $0x8F2B, s0  }
0x36: {  	[sflag:s0] =	ssyncadd.remote.s32 $0x1  }
0x37: {  	_ =	sfence.sel $0xFFFF  }
0x38: {  	[dreg:$0x0] =	wrdreg $0xFFFFFFFF;
	(pc) =	sbr.abs _section_cstart, $3  }
0x39: {  	[dreg:$0x1] =	wrdreg $0xFFFFFFFF  }
0x3a: {  	_ =	task.clear_ibuf [dreg:s8], $0x2FFFF;
	_ =	strace $0x9FFFFFFF  }
0x3b: {  	(tm) =	ssettm $0x7FFFFFFF  }
tec
execute0_lowered:
.L_overlay_start_1:
0x0: {  	(tag) =	ssettag $0x1  }
0x1: {  	s0 =	srdreg.scid  }
0x2: {  	s1 =	sshll.u32 s0, $0x4  }
0x3: {  	s2 =	rddreg [dreg:$0x0];
	s0 =	stileid.u32;
	s1 =	sand.u32 $0x10, s1  }
0x4: {  	s4 =	rddreg [dreg:$0x1];
	s1 =	sor.u32 s0, s1  }
0x5: {  	s7 =	simm.s32 $0x1;
	s8 =	simm.s32 $0x2;
	s3 =	sshll.u32 s1, $0x2  }
0x6: {  	s9 =	simm.s32 $0x0;
	s12 =	simm.s32 $0x0;
	s6 =	ssub.s32 $0x1800, s3  }
.Ltmp0:
0x7: {  	s11 =	simm.s32 $0x0;
	s5 =	sand.u32 $0x7C, s6;
	(pc) =	sbr.rel .LBB1_1-.Ltmp0, $4  }
0x8: {  	s1 =	rddreg [dreg:$0x2];
	_ =	strace $0x80000047;
	p0 =	sne.s32 s5, $0x0  }
0x9: {  	s6 =	sshrl.u32 s6, $0x7;
	s5 =	simm.s32 $0x1;
	s7 =	simm.s32 @!p0 $0x0  }
0xa: {  	s10 =	smov.u32 s3;
	[sflag:s5] =	ssyncpa.u1 $0x0;
	s6 =	sadd.s32 s7, s6  }
0xb: {  	[sflag:s8] =	ssyncpa.u1 $0x0;
	s8 =	simm.s32 $0x0;
	s7 =	sadd.s32 $0x1, s6  }
.LBB1_9:
0xc: {  	s14 =	sadd.s32 $0x80, s10  }
0xd: {  	p1 =	sgt.s32 s14, $0x17FF  }
0xe: {  	s14 =	smov.u32 @p1 s3;
	p1 =	sne.s32 s11, s7  }
.Ltmp1:
0xf: {  	p0 =	slt.u32 s11, $0x2;
	(pc) =	sbr.rel @!p1 .LBB1_10-.Ltmp1, $4  }
0x10: {  	s13 =	simm.s32 @!p0 $0x2  }
0x11: {  	s15 =	sadd.s32 $0x1, s11;
	_ =	swait.ge @!p0 [sflag:s13], $0x4000  }
0x12: {  	s12 =	smov.u32 s10;
	s9 =	sadd.s32 $0x4000, s9;
	[sflag:s13] =	ssyncset.done @!p0 $0x0  }
0x13: {  	s11 =	smov.u32 s15;
	s10 =	smov.u32 s14;
	[sflag:s13] =	ssyncadd.s32 @!p0 $0xFFFFC000  }
.LBB1_1:
0x14: {  	p0 =	sge.u32 s11, s6  }
0x15: {  	s13 =	sxor.u32 @!p0 $0xFFFFFFFF, s11  }
0x16: {  	s31 =	sadd.s32 $0xFFFFFFFF, s11;
	s14 =	sshll.u32 @!p0 s10, $0x9;
	s13 =	sshll.u32 @!p0 s13, $0xE  }
0x17: {  	s15 =	simm.s32 @!p0 $0x0;
	s14 =	sadd.s32 @!p0 s2, s14;
	s13 =	sand.u32 @!p0 $0x4000, s13  }
0x18: {  	[tilespmem:s13], [sflag:$0x1] =	stream.linear.gather @!p0 [hbm4b:s14+s15], $0x4000, $0x38;
	[tilespmem:$0x10000] =	vst v63  }
0x19: {  	p0 =	sge.u32 s31, s6  }
.Ltmp2:
0x1a: {  	_ = 	snop;
	(pc) =	sbr.rel @p0 .LBB1_9-.Ltmp2, $1  }
0x1b: {  	_ =	sdelay $0x3  }
0x1c: {  	s14 =	sand.u32 $0x4000, s9  }
0x1d: {  	_ =	swait.ge [sflag:s5], $0x4000;
	s15 =	sshll.u32 s11, $0xE;
	s16 =	simm.s32 $0x0  }
0x1e: {  	s13 =	sor.u32 $0x40, s14;
	[sflag:s5] =	ssyncset.done $0x0;
	s15 =	sand.u32 $0x4000, s15  }
0x1f: {  	s14 =	sor.u32 $0x8040, s14;
	[sflag:s5] =	ssyncadd.s32 $0xFFFFC000;
	s15 =	sor.u32 $0x8000, s15  }
.LBB1_3:
0x20: {  	s17 =	smov.u32 s14;
	s18 =	smov.u32 s13;
	s19 =	simm.s32 $0x0  }
.LBB1_4:
0x21: {  	v0 =	vmov s17;
	v2 =	vld [tilespmem:s18+$0x30]  }
0x22: {  	v4 =	vld [tilespmem:s18+$0xFFFFFFD0]  }
0x23: {  	v6 =	vld [tilespmem:s18+$0xFFFFFFE0]  }
0x24: {  	v7 =	vld [tilespmem:s18+$0xFFFFFFF0]  }
0x25: {  	s20 =	simm.s32 $0x0;
	v1 =	vld [tilespmem:s18+$0x0]  }
0x26: {  	v3 =	vld [tilespmem:s18+$0x10];
	[tilespmem:v0+s20+$0x30 ss:$0x1] =	vst.idx.msk $0xffff, v2  }
0x27: {  	v5 =	vld [tilespmem:s18+$0x20];
	[tilespmem:v0+s20+$0xFFFFFFD0 ss:$0x1] =	vst.idx.msk $0xffff, v4  }
0x28: {  	s21 =	sadd.s32 $0x80, s18;
	v2 =	vld [tilespmem:s18+$0xFFFFFFC0];
	[tilespmem:v0+s20+$0xFFFFFFE0 ss:$0x1] =	vst.idx.msk $0xffff, v6  }
0x29: {  	s22 =	simm.s32 $0x800;
	s23 =	simm.s32 $0x1000;
	v4 =	vld [tilespmem:s21+$0x30];
	[tilespmem:v0+s20+$0xFFFFFFF0 ss:$0x1] =	vst.idx.msk $0xffff, v7  }
.LBB1_5:
0x2a: {  	p0 =	sne.s32 s23, $0x3800;
	v6 =	vld [tilespmem:s21+$0xFFFFFFD0];
	[tilespmem:v0+s20+$0x0 ss:$0x1] =	vst.idx.msk $0xffff, v1  }
0x2b: {  	v7 =	vld [tilespmem:s21+$0xFFFFFFE0];
	[tilespmem:v0+s20+$0x10 ss:$0x1] =	vst.idx.msk $0xffff, v3  }
0x2c: {  	v8 =	vld [tilespmem:s21+$0xFFFFFFF0];
	[tilespmem:v0+s20+$0x20 ss:$0x1] =	vst.idx.msk $0xffff, v5  }
.Ltmp3:
0x2d: {  	v1 =	vld [tilespmem:s21+$0x0];
	[tilespmem:v0+s20+$0xFFFFFFC0 ss:$0x1] =	vst.idx.msk $0xffff, v2;
	s20 =	sshra.s32 s22, $0x2;
	s22 =	smov.u32 s23;
	(pc) =	sbr.rel @p0 .LBB1_5-.Ltmp3, $4  }
0x2e: {  	v3 =	vld [tilespmem:s21+$0x10];
	[tilespmem:v0+s20+$0x30 ss:$0x1] =	vst.idx.msk $0xffff, v4  }
0x2f: {  	[tilespmem:v0+s20+$0xFFFFFFD0 ss:$0x1] =	vst.idx.msk $0xffff, v6;
	v5 =	vld [tilespmem:s21+$0x20]  }
0x30: {  	v2 =	vld [tilespmem:s21+$0xFFFFFFC0];
	[tilespmem:v0+s20+$0xFFFFFFE0 ss:$0x1] =	vst.idx.msk $0xffff, v7;
	s21 =	sadd.s32 $0x80, s21  }
0x31: {  	s23 =	sadd.s32 $0x800, s23;
	v4 =	vld [tilespmem:s21+$0x30];
	[tilespmem:v0+s20+$0xFFFFFFF0 ss:$0x1] =	vst.idx.msk $0xffff, v8  }
0x32: {  	_ =	sdelay $0x3  }
0x33: {  	v6 =	vld [tilespmem:s21+$0xFFFFFFD0];
	[tilespmem:v0+s20+$0x0 ss:$0x1] =	vst.idx.msk $0xffff, v1  }
0x34: {  	v58 =	vld [tilespmem:s21+$0xFFFFFFE0];
	[tilespmem:v0+s20+$0x10 ss:$0x1] =	vst.idx.msk $0xffff, v3  }
0x35: {  	v59 =	vld [tilespmem:s21+$0xFFFFFFF0];
	[tilespmem:v0+s20+$0x20 ss:$0x1] =	vst.idx.msk $0xffff, v5  }
0x36: {  	s22 =	sshra.s32 s22, $0x2;
	v60 =	vld [tilespmem:s21+$0x0];
	[tilespmem:v0+s20+$0xFFFFFFC0 ss:$0x1] =	vst.idx.msk $0xffff, v2  }
0x37: {  	v61 =	vld [tilespmem:s21+$0x10];
	[tilespmem:v0+s22+$0x30 ss:$0x1] =	vst.idx.msk $0xffff, v4  }
0x38: {  	v62 =	vld [tilespmem:s21+$0x20];
	s19 =	sadd.s32 $0x1, s19;
	[tilespmem:v0+s22+$0xFFFFFFD0 ss:$0x1] =	vst.idx.msk $0xffff, v6  }
0x39: {  	v63 =	vld [tilespmem:s21+$0xFFFFFFC0];
	p0 =	sne.s32 s19, $0x4;
	[tilespmem:v0+s22+$0xFFFFFFE0 ss:$0x1] =	vst.idx.msk $0xffff, v58  }
.Ltmp4:
0x3a: {  	[tilespmem:v0+s22+$0xFFFFFFF0 ss:$0x1] =	vst.idx.msk $0xffff, v59;
	(pc) =	sbr.rel @p0 .LBB1_4-.Ltmp4, $4  }
0x3b: {  	[tilespmem:v0+s22+$0x0 ss:$0x1] =	vst.idx.msk $0xffff, v60  }
0x3c: {  	[tilespmem:v0+s22+$0x10 ss:$0x1] =	vst.idx.msk $0xffff, v61  }
0x3d: {  	[tilespmem:v0+s22+$0x20 ss:$0x1] =	vst.idx.msk $0xffff, v62  }
0x3e: {  	s18 =	sadd.s32 $0x400, s18;
	s17 =	sadd.s32 $0x80, s17;
	[tilespmem:v0+s22+$0xFFFFFFC0 ss:$0x1] =	vst.idx.msk $0xffff, v63  }
0x3f: {  	s16 =	sadd.s32 $0x1, s16  }
0x40: {  	p0 =	sne.s32 s16, $0x4  }
.Ltmp5:
0x41: {  	_ = 	snop;
	(pc) =	sbr.rel @p0 .LBB1_3-.Ltmp5, $2  }
0x42: {  	_ =	sdelay $0x2  }
0x43: {  	s13 =	sadd.s32 $0x1000, s13;
	s14 =	sadd.s32 $0x1000, s14  }
.Ltmp6:
0x44: {  	(pc) =	sbr.rel .LBB1_9-.Ltmp6, $4  }
0x45: {  	_ = 	snop  }
0x46: {  	s12 =	sshll.u32 s12, $0x9  }
0x47: {  	s12 =	sadd.s32 s4, s12  }
0x48: {  	[hbm4b:s12+s8] =	stream.linear.scatter [tilespmem:s15], [sflag:$0x2], $0x4000, $0x38;
	[tilespmem:$0x10000] =	vst v63  }
.LBB1_10:
0x49: {  	_ =	sfence.sel $0x180000  }
0x4a: {  	s2 =	simm.s32 $0x1;
	[bflag:$0x0] =	sbarrier.arrive $0xFFFF  }
0x4b: {  	s31 =	simm.s32 $0x2;
	[sflag:s2] =	ssyncpa.u1 $0x1  }
0x4c: {  	[sflag:s31] =	ssyncpa.u1 $0x1  }
0x4d: {  	p0 =	sne.s32 s0, $0x0;
	_ =	strace $0x90000047  }
0x4e: {  	s0 =	sadd.s32 @!p0 $0x100000, s1;
	[bflag:$0x2] =	sbarrier.arrive $0xFFFF  }
0x4f: {  	[sflag:s0] =	ssyncadd.tile.s32 @!p0 $0x1;
	_ =	shalt  }
.Lfunc_end1:
_tile_overlayer_lowered:
.L_overlay_start_2:
0x50: {  	(tag) =	ssettag $0x2  }
0x51: {  	s0 =	rddreg [dreg:$0x0];
	s2 =	stileid.u32  }
0x52: {  	s1 =	rddreg [dreg:$0x1];
	p0 =	sne.s32 s2, $0x0  }
0x53: {  	s3 =	rddreg [dreg:$0x2];
	[bflag:$0x3] =	sbarrier.arrive $0xFFFF;
	s2 =	simm.s32 @!p0 $0x1C01  }
0x54: {  	[timem:s3], [sflag:s2] =	dma.local @!p0 [hbm:s0], s1  }
0x55: {  	s0 =	simm.s32 @!p0 $0x1  }
0x56: {  	_ =	swait.ge @!p0 [sflag:s0], s1  }
0x57: {  	s1 =	ssub.s32 @!p0 $0x0, s1;
	[sflag:s0] =	ssyncset.done @!p0 $0x0  }
0x58: {  	[sflag:s0] =	ssyncadd.s32 @!p0 s1  }
0x59: {  	[bflag:$0x3] =	sbarrier.arrive $0xFFFF  }
0x5a: {  	_ =	shalt  }

</sc_bundles>
